<compile_context>
chip_gen: v7x
topology: tpu7x:2x2x1
jax: 0.10.2.dev20260603
libtpu: 0.0.44.dev20260713+nightly
codegen_flags: <defaults>
</compile_context>

<pallas_src>
import functools

import jax
import jax.numpy as jnp
import numpy as np
from jax import lax
from jax.experimental import pallas as pl
from jax.experimental.pallas import tpu as pltpu
from jax.experimental.pallas import tpu_sc as plsc

B = 16384
L = 50
D = 16
NR = 5
NV = 1000000
NU = 1000000
N = B * L
S = 8
PR = N // S
W128 = S * D

_NC = 2
_NS = 16
_NW = _NC * _NS
_V_PER_W = N // _NW
_U_PER_W = B // _NW
_CHUNK = 2560
_NSTEP = _V_PER_W // _CHUNK


@functools.cache
def _make_sc_gather():
    mesh = plsc.VectorSubcoreMesh(core_axis_name="c", subcore_axis_name="s",
                                  num_cores=_NC, num_subcores=_NS)

    @functools.partial(
        pl.kernel,
        out_type=[
            jax.ShapeDtypeStruct((N, D), jnp.float32),
            jax.ShapeDtypeStruct((B, D), jnp.float32),
        ],
        mesh=mesh,
        compiler_params=pltpu.CompilerParams(use_tc_tiling_on_sc=False),
        scratch_types=[
            pltpu.VMEM((_CHUNK,), jnp.int32),
            pltpu.VMEM((_CHUNK, D), jnp.float32),
            pltpu.VMEM((_U_PER_W,), jnp.int32),
            pltpu.VMEM((_U_PER_W, D), jnp.float32),
            pltpu.SemaphoreType.DMA,
        ],
    )
    def _sc_gather(v2e_hbm, vidx_hbm, u2e_hbm, nodes_hbm,
                   euv_hbm, urep_hbm,
                   idx_v, rows_v, uidx_v, urows_v, sem):
        wid = lax.axis_index("s") * _NC + lax.axis_index("c")
        v2e2 = v2e_hbm
        u2e2 = u2e_hbm

        ubase = pl.multiple_of(wid * _U_PER_W, 8)
        pltpu.sync_copy(nodes_hbm.at[pl.ds(ubase, _U_PER_W)], uidx_v)
        pltpu.async_copy(u2e2.at[uidx_v], urows_v, sem).wait()
        pltpu.sync_copy(urows_v, urep_hbm.at[pl.ds(ubase, _U_PER_W)])

        vbase = wid * _V_PER_W

        def step(i, carry):
            base = pl.multiple_of(vbase + i * _CHUNK, 8)
            pltpu.sync_copy(vidx_hbm.at[pl.ds(base, _CHUNK)], idx_v)
            pltpu.async_copy(v2e2.at[idx_v], rows_v, sem).wait()
            pltpu.sync_copy(rows_v, euv_hbm.at[pl.ds(base, _CHUNK)])
            return carry

        lax.fori_loop(0, _NSTEP, step, 0)

    return _sc_gather


_PBLK = 8192
_NPB = (NV + _PBLK - 1) // _PBLK
_NVP = _NPB * _PBLK



def _sigma(i):
    return ((i >> 13) << 13) | ((i & 1023) << 3) | ((i >> 10) & 7)


def _pack_body(vt_ref, ut_ref, vo_ref, uo_ref):
    f32 = jnp.float32
    dot = functools.partial(jnp.dot, preferred_element_type=f32)
    pb8 = _PBLK // 8

    base = pl.program_id(0) * _PBLK

    def pack(xt):
        col = base + lax.broadcasted_iota(jnp.int32, (D, _PBLK), 1)
        xt = jnp.where(col < NV, xt, 0.0)
        acc = None
        for s in range(8):
            t = jnp.transpose(xt[:, s * pb8:(s + 1) * pb8])
            sh = (lax.broadcasted_iota(jnp.int32, (D, W128), 1) ==
                  lax.broadcasted_iota(jnp.int32, (D, W128), 0) + s * D
                  ).astype(f32)
            y = dot(t, sh)
            acc = y if acc is None else acc + y
        return acc

    vo_ref[...] = pack(vt_ref[...])
    uo_ref[...] = pack(ut_ref[...])


def _pack_tables(v2e_t, u2e_t):
    grid = (_NPB,)
    return pl.pallas_call(
        _pack_body,
        grid=grid,
        in_specs=[pl.BlockSpec((D, _PBLK), lambda i: (0, i)),
                  pl.BlockSpec((D, _PBLK), lambda i: (0, i))],
        out_specs=[pl.BlockSpec((_PBLK // 8, 128), lambda i: (i, 0)),
                   pl.BlockSpec((_PBLK // 8, 128), lambda i: (i, 0))],
        out_shape=[jax.ShapeDtypeStruct((_NVP // 8, 128), jnp.float32),
                   jax.ShapeDtypeStruct((_NVP // 8, 128), jnp.float32)],
        compiler_params=pltpu.CompilerParams(
            dimension_semantics=("parallel",)),
    )(v2e_t, u2e_t)


_ICB = 1024


def _permute_body(uv_ref, r_ref, uvo_ref, ro_ref):
    def perm(x):
        t = jnp.transpose(x)
        return jnp.transpose(t.reshape(_ICB // S, S, L), (0, 2, 1))
    uvo_ref[...] = _sigma(perm(uv_ref[...]))
    ro_ref[...] = perm(r_ref[...])


def _permute_idx(hu_t, hr_t):
    grid = (B // _ICB,)
    spec_in = pl.BlockSpec((L, _ICB), lambda i: (0, i))
    spec_out = pl.BlockSpec((_ICB // S, L, S), lambda i: (i, 0, 0))
    return pl.pallas_call(
        _permute_body,
        grid=grid,
        in_specs=[spec_in, spec_in],
        out_specs=[spec_out, spec_out],
        out_shape=[jax.ShapeDtypeStruct((B // S, L, S), jnp.int32),
                   jax.ShapeDtypeStruct((B // S, L, S), jnp.int32)],
        compiler_params=pltpu.CompilerParams(
            dimension_semantics=("parallel",)),
    )(hu_t, hr_t)


_GB = 16
_BBLK = _GB * S
_MB = _GB * L


def _tc_body(euv_ref, hrp_ref, urep_ref,
             c1p_ref, w1ap_ref, w2p_ref, b2p_ref,
             a1ap_ref, a1bp_ref, ba1p_ref, a2p_ref, ba2p_ref,
             a3p_ref, r8_ref, r5_ref, out_ref):
    f32 = jnp.float32
    dot = functools.partial(jnp.dot, preferred_element_type=f32)

    euv = euv_ref[...]
    hrp = hrp_ref[...].reshape(_MB, S)
    hr40 = dot(hrp.astype(f32), r5_ref[...])
    ohp = (hr40 == (lax.broadcasted_iota(jnp.int32, (_MB, S * NR), 1) % NR
                    ).astype(f32)).astype(f32)

    x1 = jnp.maximum(dot(euv, w1ap_ref[...]) + dot(ohp, c1p_ref[...]), 0.0)
    o = jnp.maximum(dot(x1, w2p_ref[...]) + b2p_ref[...], 0.0)

    etg = (lax.broadcasted_iota(jnp.int32, (_MB, _GB), 0) // L ==
           lax.broadcasted_iota(jnp.int32, (_MB, _GB), 1)).astype(f32)
    eg = (lax.broadcasted_iota(jnp.int32, (_GB, _MB), 0) ==
          lax.broadcasted_iota(jnp.int32, (_GB, _MB), 1) // L).astype(f32)

    u_att = dot(urep_ref[...], a1bp_ref[...]) + ba1p_ref[...]
    u_exp = dot(etg, u_att)

    a1 = jnp.maximum(dot(o, a1ap_ref[...]) + u_exp, 0.0)
    a2 = jnp.maximum(dot(a1, a2p_ref[...]) + ba2p_ref[...], 0.0)
    lg = dot(a2, a3p_ref[...])

    el = jnp.exp(lg)
    den = dot(eg, el)
    dexp = dot(etg, 1.0 / den)
    att = el * dexp
    att128 = dot(att, r8_ref[...])
    out_ref[...] = dot(eg, o * att128)


def _tc_call(euv128, hrp, urep128, c1p, w1ap, w2p, b2p,
             a1ap, a1bp, ba1p, a2p, ba2p, a3p, r8, r5):
    grid = (B // _BBLK,)
    full = lambda shape: pl.BlockSpec(shape, lambda i: (0, 0))
    return pl.pallas_call(
        _tc_body,
        grid=grid,
        in_specs=[
            pl.BlockSpec((_MB, W128), lambda i: (i, 0)),
            pl.BlockSpec((_GB, L, S), lambda i: (i, 0, 0)),
            pl.BlockSpec((_GB, W128), lambda i: (i, 0)),
            full((S * NR, W128)),
            full((W128, W128)), full((W128, W128)), full((1, W128)),
            full((W128, W128)), full((W128, W128)), full((1, W128)),
            full((W128, W128)), full((1, W128)),
            full((W128, S)), full((S, W128)), full((S, S * NR)),
        ],
        out_specs=pl.BlockSpec((_GB, W128), lambda i: (i, 0)),
        out_shape=jax.ShapeDtypeStruct((B // S, W128), jnp.float32),
        compiler_params=pltpu.CompilerParams(
            dimension_semantics=("parallel",)),
    )(euv128, hrp, urep128, c1p, w1ap, w2p, b2p,
      a1ap, a1bp, ba1p, a2p, ba2p, a3p, r8, r5)


def kernel(nodes, history_uv, history_r, v2e, u2e, r2e,
           w_r1_W, w_r1_b, w_r2_W, w_r2_b,
           att1_W, att1_b, att2_W, att2_b, att3_W, att3_b):
    f32 = jnp.float32

    i32 = jnp.int32
    uv3, r3 = _permute_idx(history_uv.astype(i32).T, history_r.astype(i32).T)
    vidx = uv3.reshape(N)
    hrp = r3

    v2e128, u2e128 = _pack_tables(v2e.T, u2e.T)
    euv, urep = _make_sc_gather()(
        v2e128.reshape(_NVP, D), vidx, u2e128.reshape(_NVP, D),
        _sigma(nodes.astype(jnp.int32)))
    euv128 = euv.reshape(PR, W128)
    urep128 = urep.reshape(B // S, W128)

    eye8 = jnp.eye(S, dtype=f32)
    kron = lambda w: jnp.kron(eye8, w.astype(f32))
    tile8 = lambda b: jnp.tile(b.reshape(1, -1), (1, S))

    c1 = r2e @ w_r1_W[D:] + w_r1_b
    out128 = _tc_call(
        euv128, hrp, urep128,
        kron(c1), kron(w_r1_W[:D]),
        kron(w_r2_W), tile8(w_r2_b),
        kron(att1_W[:D]), kron(att1_W[D:]), tile8(att1_b),
        kron(att2_W), tile8(att2_b),
        kron(att3_W),
        kron(jnp.ones((1, D), f32)),
        kron(jnp.ones((1, NR), f32)),
    )
    return out128.reshape(B, D)

# --- scband reference (transcript-rebuilt; emitter-appended) ---
"""Pipeline reference for scband-uv-aggregator-51196010168833 (READ-ONLY COPY).

The authoritative reference and input builder live on the scoring server;
editing this copy changes nothing except your own understanding.
"""

import jax, jax.numpy as jnp
import numpy as np

B = 16384
L = 50
D = 16
NV = 1000000
NU = 1000000
NR = 5


def setup_inputs(seed: int = 0) -> dict:
    key = jax.random.key(seed)
    ks = jax.random.split(key, 16)
    nodes = jax.random.randint(ks[0], (B,), 0, NU, dtype=jnp.int64 if jax.config.jax_enable_x64 else jnp.int32)
    history_uv = jax.random.randint(ks[1], (B, L), 0, NV, dtype=jnp.int64 if jax.config.jax_enable_x64 else jnp.int32)
    history_r = jax.random.randint(ks[2], (B, L), 0, NR, dtype=jnp.int64 if jax.config.jax_enable_x64 else jnp.int32)
    s = 0.05
    v2e = jax.random.normal(ks[3], (NV, D), jnp.float32) * s
    u2e = jax.random.normal(ks[4], (NU, D), jnp.float32) * s
    r2e = jax.random.normal(ks[5], (NR, D), jnp.float32) * s
    def lin(k, fin, fout):
        lim = 1.0 / np.sqrt(fin)
        kw, kb = jax.random.split(k)
        W = jax.random.uniform(kw, (fin, fout), jnp.float32, -lim, lim)
        b = jax.random.uniform(kb, (fout,), jnp.float32, -lim, lim)
        return W, b
    w_r1_W, w_r1_b = lin(ks[6], 2 * D, D)
    w_r2_W, w_r2_b = lin(ks[7], D, D)
    att1_W, att1_b = lin(ks[8], 2 * D, D)
    att2_W, att2_b = lin(ks[9], D, D)
    att3_W, att3_b = lin(ks[10], D, 1)
    return {
        "nodes": nodes, "history_uv": history_uv, "history_r": history_r,
        "v2e": v2e, "u2e": u2e, "r2e": r2e,
        "w_r1_W": w_r1_W, "w_r1_b": w_r1_b, "w_r2_W": w_r2_W, "w_r2_b": w_r2_b,
        "att1_W": att1_W, "att1_b": att1_b, "att2_W": att2_W, "att2_b": att2_b,
        "att3_W": att3_W, "att3_b": att3_b,
    }


def reference(nodes, history_uv, history_r, v2e, u2e, r2e,
              w_r1_W, w_r1_b, w_r2_W, w_r2_b,
              att1_W, att1_b, att2_W, att2_b, att3_W, att3_b):
    # uv=True branch, vectorized over the batch (original loops per node).
    e_uv = jnp.take(v2e, history_uv, axis=0)          # [B, L, D]
    uv_rep = jnp.take(u2e, nodes, axis=0)             # [B, D]
    e_r = jnp.take(r2e, history_r, axis=0)            # [B, L, D]
    x = jnp.concatenate([e_uv, e_r], axis=-1)         # [B, L, 2D]
    x = jax.nn.relu(x @ w_r1_W + w_r1_b)
    o_history = jax.nn.relu(x @ w_r2_W + w_r2_b)      # [B, L, D]
    # Attention: concat(neighbor rep, repeated self rep) -> MLP -> softmax over L
    uv_b = jnp.broadcast_to(uv_rep[:, None, :], o_history.shape)
    a = jnp.concatenate([o_history, uv_b], axis=-1)   # [B, L, 2D]
    a = jax.nn.relu(a @ att1_W + att1_b)
    a = jax.nn.relu(a @ att2_W + att2_b)
    a = a @ att3_W + att3_b                           # [B, L, 1]
    att_w = jax.nn.softmax(a, axis=1)                 # softmax over history dim
    # att_history = o_history^T @ att_w, per node  -> weighted sum over L
    to_feats = jnp.sum(o_history * att_w, axis=1)     # [B, D]
    return to_feats

if __name__ == "__main__":
    import jax
    _d = setup_inputs()
    print(jax.jit(kernel)(*tuple(_d.values())))

</pallas_src>

<mosaic_0001>
#map = affine_map<(d0, d1) -> (0, 0)>
#map1 = affine_map<(d0, d1) -> (0)>
module attributes {stable_mosaic.version = 14 : i64} {
  func.func @_sc_gather(%arg0: i32, %arg1: i32, %arg2: memref<1007616x16xf32, #tpu.memory_space<hbm>>, %arg3: memref<819200xi32, #tpu.memory_space<hbm>>, %arg4: memref<1007616x16xf32, #tpu.memory_space<hbm>>, %arg5: memref<16384xi32, #tpu.memory_space<hbm>>, %arg6: memref<819200x16xf32, #tpu.memory_space<hbm>>, %arg7: memref<16384x16xf32, #tpu.memory_space<hbm>>, %arg8: memref<2560xi32, #tpu.memory_space<vmem>>, %arg9: memref<2560x16xf32, #tpu.memory_space<vmem>>, %arg10: memref<512xi32, #tpu.memory_space<vmem>>, %arg11: memref<512x16xf32, #tpu.memory_space<vmem>>, %arg12: memref<!tpu.dma_semaphore, #tpu.memory_space<semaphore_mem>>) attributes {dimension_semantics = [#tpu.dimension_semantics<core_parallel>, #tpu.dimension_semantics<subcore_parallel>], iteration_bounds = array<i64: 2, 16>, scalar_prefetch = 0 : i64, scratch_operands = 5 : i64, tpu.core_type = #tpu.core_type<sc_vector_subcore>, window_params = [{transform_indices = #map}, {transform_indices = #map1}, {transform_indices = #map}, {transform_indices = #map1}, {transform_indices = #map}, {transform_indices = #map}]} {
    %mul3A = arith.constant 2 : i32
    %mul3A_0 = arith.muli %arg1, %mul3A : i32
    %add3A = arith.addi %mul3A_0, %arg0 : i32
    %mul3A_1 = arith.constant 512 : i32
    %mul3A_2 = arith.muli %add3A, %mul3A_1 : i32
    %multiple_of3A = tpu.assume_multiple %mul3A_2, 8 : i32
    "tpu.region"() ({
      %run_scoped3A = tpu.sem_alloc : memref<!tpu.dma_semaphore, #tpu.memory_space<semaphore_mem>>
      %dma_start3A_14 = tpu.memref_slice %arg5[%multiple_of3A] : memref<16384xi32, #tpu.memory_space<hbm>> -> memref<512xi32, #tpu.memory_space<hbm>>
      %dma_start3A_15 = tpu.memref_slice %arg5[%multiple_of3A] : memref<16384xi32, #tpu.memory_space<hbm>> -> memref<512xi32, #tpu.memory_space<hbm>>
      tpu.enqueue_dma source(%dma_start3A_15 : memref<512xi32, #tpu.memory_space<hbm>>) target(%arg10 : memref<512xi32, #tpu.memory_space<vmem>>) target_semaphore(%run_scoped3A : memref<!tpu.dma_semaphore, #tpu.memory_space<semaphore_mem>>)
      %dma_wait3A_16 = tpu.memref_slice %arg5[%multiple_of3A] : memref<16384xi32, #tpu.memory_space<hbm>> -> memref<512xi32, #tpu.memory_space<hbm>>
      %dma_wait3A_17 = tpu.memref_slice %arg5[%multiple_of3A] : memref<16384xi32, #tpu.memory_space<hbm>> -> memref<512xi32, #tpu.memory_space<hbm>>
      tpu.wait_dma2 semaphore(%run_scoped3A : memref<!tpu.dma_semaphore, #tpu.memory_space<semaphore_mem>>) src(%dma_wait3A_17 : memref<512xi32, #tpu.memory_space<hbm>>) dst(%arg10 : memref<512xi32, #tpu.memory_space<vmem>>)
      tpu.yield
    }) : () -> ()
    %dma_start3A = arith.constant 0 : i32
    %dma_start3A_3 = arith.constant 0 : i32
    %dma_start3A_4 = tpu.memref_slice %arg4[%dma_start3A, %dma_start3A_3] : memref<1007616x16xf32, #tpu.memory_space<hbm>> -> memref<1007616x16xf32, #tpu.memory_space<hbm>>
    tpu.enqueue_indirect_dma source(%dma_start3A_4 : memref<1007616x16xf32, #tpu.memory_space<hbm>>) target(%arg11 : memref<512x16xf32, #tpu.memory_space<vmem>>) offsets(%arg10 : memref<512xi32, #tpu.memory_space<vmem>>) semaphore(%arg12 : memref<!tpu.dma_semaphore, #tpu.memory_space<semaphore_mem>>)
    %dma_wait3A = arith.constant 0 : i32
    %dma_wait3A_5 = arith.constant 0 : i32
    %dma_wait3A_6 = tpu.memref_slice %arg4[%dma_wait3A, %dma_wait3A_5] : memref<1007616x16xf32, #tpu.memory_space<hbm>> -> memref<1007616x16xf32, #tpu.memory_space<hbm>>
    tpu.wait_indirect_dma semaphore(%arg12 : memref<!tpu.dma_semaphore, #tpu.memory_space<semaphore_mem>>) src(%dma_wait3A_6 : memref<1007616x16xf32, #tpu.memory_space<hbm>>) dst(%arg11 : memref<512x16xf32, #tpu.memory_space<vmem>>)
    "tpu.region"() ({
      %run_scoped3A = tpu.sem_alloc : memref<!tpu.dma_semaphore, #tpu.memory_space<semaphore_mem>>
      %dma_start3A_14 = arith.constant 0 : i32
      %dma_start3A_15 = tpu.memref_slice %arg7[%multiple_of3A, %dma_start3A_14] : memref<16384x16xf32, #tpu.memory_space<hbm>> -> memref<512x16xf32, #tpu.memory_space<hbm>>
      %dma_start3A_16 = arith.constant 0 : i32
      %dma_start3A_17 = tpu.memref_slice %arg7[%multiple_of3A, %dma_start3A_16] : memref<16384x16xf32, #tpu.memory_space<hbm>> -> memref<512x16xf32, #tpu.memory_space<hbm>>
      tpu.enqueue_dma source(%arg11 : memref<512x16xf32, #tpu.memory_space<vmem>>) target(%dma_start3A_17 : memref<512x16xf32, #tpu.memory_space<hbm>>) target_semaphore(%run_scoped3A : memref<!tpu.dma_semaphore, #tpu.memory_space<semaphore_mem>>)
      %dma_wait3A_18 = arith.constant 0 : i32
      %dma_wait3A_19 = tpu.memref_slice %arg7[%multiple_of3A, %dma_wait3A_18] : memref<16384x16xf32, #tpu.memory_space<hbm>> -> memref<512x16xf32, #tpu.memory_space<hbm>>
      %dma_wait3A_20 = arith.constant 0 : i32
      %dma_wait3A_21 = tpu.memref_slice %arg7[%multiple_of3A, %dma_wait3A_20] : memref<16384x16xf32, #tpu.memory_space<hbm>> -> memref<512x16xf32, #tpu.memory_space<hbm>>
      tpu.wait_dma2 semaphore(%run_scoped3A : memref<!tpu.dma_semaphore, #tpu.memory_space<semaphore_mem>>) src(%arg11 : memref<512x16xf32, #tpu.memory_space<vmem>>) dst(%dma_wait3A_21 : memref<512x16xf32, #tpu.memory_space<hbm>>)
      tpu.yield
    }) : () -> ()
    %mul3A_7 = arith.constant 25600 : i32
    %mul3A_8 = arith.muli %add3A, %mul3A_7 : i32
    %scan3A = arith.constant 0 : i32
    %scan3A_9 = arith.constant 0 : i32
    %scan3A_10 = arith.constant 10 : i32
    %scan3A_11 = arith.addi %scan3A_9, %scan3A_10 : i32
    %scan3A_12 = arith.constant 1 : i32
    scf.for %scan3A_14 = %scan3A_9 to %scan3A_11 step %scan3A_12  : i32 {
      %mul3A_15 = arith.constant 2560 : i32
      %mul3A_16 = arith.muli %scan3A_14, %mul3A_15 : i32
      %add3A_17 = arith.addi %mul3A_8, %mul3A_16 : i32
      %multiple_of3A_18 = tpu.assume_multiple %add3A_17, 8 : i32
      "tpu.region"() ({
        %run_scoped3A = tpu.sem_alloc : memref<!tpu.dma_semaphore, #tpu.memory_space<semaphore_mem>>
        %dma_start3A_25 = tpu.memref_slice %arg3[%multiple_of3A_18] : memref<819200xi32, #tpu.memory_space<hbm>> -> memref<2560xi32, #tpu.memory_space<hbm>>
        %dma_start3A_26 = tpu.memref_slice %arg3[%multiple_of3A_18] : memref<819200xi32, #tpu.memory_space<hbm>> -> memref<2560xi32, #tpu.memory_space<hbm>>
        tpu.enqueue_dma source(%dma_start3A_26 : memref<2560xi32, #tpu.memory_space<hbm>>) target(%arg8 : memref<2560xi32, #tpu.memory_space<vmem>>) target_semaphore(%run_scoped3A : memref<!tpu.dma_semaphore, #tpu.memory_space<semaphore_mem>>)
        %dma_wait3A_27 = tpu.memref_slice %arg3[%multiple_of3A_18] : memref<819200xi32, #tpu.memory_space<hbm>> -> memref<2560xi32, #tpu.memory_space<hbm>>
        %dma_wait3A_28 = tpu.memref_slice %arg3[%multiple_of3A_18] : memref<819200xi32, #tpu.memory_space<hbm>> -> memref<2560xi32, #tpu.memory_space<hbm>>
        tpu.wait_dma2 semaphore(%run_scoped3A : memref<!tpu.dma_semaphore, #tpu.memory_space<semaphore_mem>>) src(%dma_wait3A_28 : memref<2560xi32, #tpu.memory_space<hbm>>) dst(%arg8 : memref<2560xi32, #tpu.memory_space<vmem>>)
        tpu.yield
      }) : () -> ()
      %dma_start3A_19 = arith.constant 0 : i32
      %dma_start3A_20 = arith.constant 0 : i32
      %dma_start3A_21 = tpu.memref_slice %arg2[%dma_start3A_19, %dma_start3A_20] : memref<1007616x16xf32, #tpu.memory_space<hbm>> -> memref<1007616x16xf32, #tpu.memory_space<hbm>>
      tpu.enqueue_indirect_dma source(%dma_start3A_21 : memref<1007616x16xf32, #tpu.memory_space<hbm>>) target(%arg9 : memref<2560x16xf32, #tpu.memory_space<vmem>>) offsets(%arg8 : memref<2560xi32, #tpu.memory_space<vmem>>) semaphore(%arg12 : memref<!tpu.dma_semaphore, #tpu.memory_space<semaphore_mem>>)
      %dma_wait3A_22 = arith.constant 0 : i32
      %dma_wait3A_23 = arith.constant 0 : i32
      %dma_wait3A_24 = tpu.memref_slice %arg2[%dma_wait3A_22, %dma_wait3A_23] : memref<1007616x16xf32, #tpu.memory_space<hbm>> -> memref<1007616x16xf32, #tpu.memory_space<hbm>>
      tpu.wait_indirect_dma semaphore(%arg12 : memref<!tpu.dma_semaphore, #tpu.memory_space<semaphore_mem>>) src(%dma_wait3A_24 : memref<1007616x16xf32, #tpu.memory_space<hbm>>) dst(%arg9 : memref<2560x16xf32, #tpu.memory_space<vmem>>)
      "tpu.region"() ({
        %run_scoped3A = tpu.sem_alloc : memref<!tpu.dma_semaphore, #tpu.memory_space<semaphore_mem>>
        %dma_start3A_25 = arith.constant 0 : i32
        %dma_start3A_26 = tpu.memref_slice %arg6[%multiple_of3A_18, %dma_start3A_25] : memref<819200x16xf32, #tpu.memory_space<hbm>> -> memref<2560x16xf32, #tpu.memory_space<hbm>>
        %dma_start3A_27 = arith.constant 0 : i32
        %dma_start3A_28 = tpu.memref_slice %arg6[%multiple_of3A_18, %dma_start3A_27] : memref<819200x16xf32, #tpu.memory_space<hbm>> -> memref<2560x16xf32, #tpu.memory_space<hbm>>
        tpu.enqueue_dma source(%arg9 : memref<2560x16xf32, #tpu.memory_space<vmem>>) target(%dma_start3A_28 : memref<2560x16xf32, #tpu.memory_space<hbm>>) target_semaphore(%run_scoped3A : memref<!tpu.dma_semaphore, #tpu.memory_space<semaphore_mem>>)
        %dma_wait3A_29 = arith.constant 0 : i32
        %dma_wait3A_30 = tpu.memref_slice %arg6[%multiple_of3A_18, %dma_wait3A_29] : memref<819200x16xf32, #tpu.memory_space<hbm>> -> memref<2560x16xf32, #tpu.memory_space<hbm>>
        %dma_wait3A_31 = arith.constant 0 : i32
        %dma_wait3A_32 = tpu.memref_slice %arg6[%multiple_of3A_18, %dma_wait3A_31] : memref<819200x16xf32, #tpu.memory_space<hbm>> -> memref<2560x16xf32, #tpu.memory_space<hbm>>
        tpu.wait_dma2 semaphore(%run_scoped3A : memref<!tpu.dma_semaphore, #tpu.memory_space<semaphore_mem>>) src(%arg9 : memref<2560x16xf32, #tpu.memory_space<vmem>>) dst(%dma_wait3A_32 : memref<2560x16xf32, #tpu.memory_space<hbm>>)
        tpu.yield
      }) : () -> ()
    }
    %scan3A_13 = arith.constant 10 : i32
    return
  }
}

module attributes {stable_mosaic.version = 14 : i64} {
  func.func @_pack_body(%arg0: i32, %arg1: memref<16x8192xf32, #tpu.memory_space<vmem>>, %arg2: memref<16x8192xf32, #tpu.memory_space<vmem>>, %arg3: memref<1024x128xf32, #tpu.memory_space<vmem>>, %arg4: memref<1024x128xf32, #tpu.memory_space<vmem>>) attributes {dimension_semantics = [#tpu.dimension_semantics<parallel>], iteration_bounds = array<i64: 123>, scalar_prefetch = 0 : i64, scratch_operands = 0 : i64, tpu.core_type = #tpu.core_type<tc>, window_params = [{transform_indices = @transform_0, window_bounds = array<i64: 16, 8192>}, {transform_indices = @transform_1, window_bounds = array<i64: 16, 8192>}, {transform_indices = @transform_2, window_bounds = array<i64: 1024, 128>}, {transform_indices = @transform_3, window_bounds = array<i64: 1024, 128>}]} {
    %mul3A = arith.constant 8192 : i32
    %mul3A_0 = arith.muli %arg0, %mul3A : i32
    %get3A = arith.constant 0 : index
    %get3A_1 = arith.constant 0 : index
    %get3A_2 = vector.load %arg1[%get3A, %get3A_1] : memref<16x8192xf32, #tpu.memory_space<vmem>>, vector<16x8192xf32>
    %iota3A = tpu.iota {dimensions = array<i32: 1>} : vector<16x8192xi32>
    %add3A = vector.broadcast %mul3A_0 : i32 to vector<16x8192xi32>
    %add3A_3 = arith.addi %add3A, %iota3A : vector<16x8192xi32>
    %lt3A = arith.constant 1000000 : i32
    %lt3A_4 = vector.broadcast %lt3A : i32 to vector<16x8192xi32>
    %lt3A_5 = arith.cmpi slt, %add3A_3, %lt3A_4 : vector<16x8192xi32>
    %jit3A = arith.constant 0.000000e+00 : f32
    %broadcast_in_dim3A = vector.broadcast %jit3A : f32 to vector<16x8192xf32>
    %select_n3A = arith.select %lt3A_5, %get3A_2, %broadcast_in_dim3A : vector<16x8192xi1>, vector<16x8192xf32>
    %slice3A = vector.extract_strided_slice %select_n3A {offsets = [0, 0], sizes = [16, 1024], strides = [1, 1]} : vector<16x8192xf32> to vector<16x1024xf32>
    %transpose3A = tpu.transpose %slice3A, [1, 0] : vector<16x1024xf32> -> vector<1024x16xf32>
    %iota3A_6 = tpu.iota {dimensions = array<i32: 1>} : vector<16x128xi32>
    %iota3A_7 = tpu.iota {dimensions = array<i32: 0>} : vector<16x128xi32>
    %add3A_8 = arith.constant 0 : i32
    %add3A_9 = vector.broadcast %add3A_8 : i32 to vector<16x128xi32>
    %add3A_10 = arith.addi %iota3A_7, %add3A_9 : vector<16x128xi32>
    %eq3A = arith.cmpi eq, %iota3A_6, %add3A_10 : vector<16x128xi32>
    %convert_element_type3A = arith.extui %eq3A : vector<16x128xi1> to vector<16x128xi32>
    %convert_element_type3A_11 = arith.sitofp %convert_element_type3A : vector<16x128xi32> to vector<16x128xf32>
    %dot_general3A = arith.constant dense<0.000000e+00> : vector<1024x128xf32>
    %dot_general3A_12 = tpu.matmul %transpose3A, %convert_element_type3A_11, %dot_general3A {dimension_numbers = #tpu.dot_dimension_numbers<[1], [0], [0], [1], [0, 0, 1, 1], [], []>, transpose_lhs_hint = false} : vector<1024x16xf32>, vector<16x128xf32>, vector<1024x128xf32> -> vector<1024x128xf32>
    %slice3A_13 = vector.extract_strided_slice %select_n3A {offsets = [0, 1024], sizes = [16, 1024], strides = [1, 1]} : vector<16x8192xf32> to vector<16x1024xf32>
    %transpose3A_14 = tpu.transpose %slice3A_13, [1, 0] : vector<16x1024xf32> -> vector<1024x16xf32>
    %iota3A_15 = tpu.iota {dimensions = array<i32: 1>} : vector<16x128xi32>
    %iota3A_16 = tpu.iota {dimensions = array<i32: 0>} : vector<16x128xi32>
    %add3A_17 = arith.constant 16 : i32
    %add3A_18 = vector.broadcast %add3A_17 : i32 to vector<16x128xi32>
    %add3A_19 = arith.addi %iota3A_16, %add3A_18 : vector<16x128xi32>
    %eq3A_20 = arith.cmpi eq, %iota3A_15, %add3A_19 : vector<16x128xi32>
    %convert_element_type3A_21 = arith.extui %eq3A_20 : vector<16x128xi1> to vector<16x128xi32>
    %convert_element_type3A_22 = arith.sitofp %convert_element_type3A_21 : vector<16x128xi32> to vector<16x128xf32>
    %dot_general3A_23 = arith.constant dense<0.000000e+00> : vector<1024x128xf32>
    %dot_general3A_24 = tpu.matmul %transpose3A_14, %convert_element_type3A_22, %dot_general3A_23 {dimension_numbers = #tpu.dot_dimension_numbers<[1], [0], [0], [1], [0, 0, 1, 1], [], []>, transpose_lhs_hint = false} : vector<1024x16xf32>, vector<16x128xf32>, vector<1024x128xf32> -> vector<1024x128xf32>
    %add3A_25 = arith.addf %dot_general3A_12, %dot_general3A_24 : vector<1024x128xf32>
    %slice3A_26 = vector.extract_strided_slice %select_n3A {offsets = [0, 2048], sizes = [16, 1024], strides = [1, 1]} : vector<16x8192xf32> to vector<16x1024xf32>
    %transpose3A_27 = tpu.transpose %slice3A_26, [1, 0] : vector<16x1024xf32> -> vector<1024x16xf32>
    %iota3A_28 = tpu.iota {dimensions = array<i32: 1>} : vector<16x128xi32>
    %iota3A_29 = tpu.iota {dimensions = array<i32: 0>} : vector<16x128xi32>
    %add3A_30 = arith.constant 32 : i32
    %add3A_31 = vector.broadcast %add3A_30 : i32 to vector<16x128xi32>
    %add3A_32 = arith.addi %iota3A_29, %add3A_31 : vector<16x128xi32>
    %eq3A_33 = arith.cmpi eq, %iota3A_28, %add3A_32 : vector<16x128xi32>
    %convert_element_type3A_34 = arith.extui %eq3A_33 : vector<16x128xi1> to vector<16x128xi32>
    %convert_element_type3A_35 = arith.sitofp %convert_element_type3A_34 : vector<16x128xi32> to vector<16x128xf32>
    %dot_general3A_36 = arith.constant dense<0.000000e+00> : vector<1024x128xf32>
    %dot_general3A_37 = tpu.matmul %transpose3A_27, %convert_element_type3A_35, %dot_general3A_36 {dimension_numbers = #tpu.dot_dimension_numbers<[1], [0], [0], [1], [0, 0, 1, 1], [], []>, transpose_lhs_hint = false} : vector<1024x16xf32>, vector<16x128xf32>, vector<1024x128xf32> -> vector<1024x128xf32>
    %add3A_38 = arith.addf %add3A_25, %dot_general3A_37 : vector<1024x128xf32>
    %slice3A_39 = vector.extract_strided_slice %select_n3A {offsets = [0, 3072], sizes = [16, 1024], strides = [1, 1]} : vector<16x8192xf32> to vector<16x1024xf32>
    %transpose3A_40 = tpu.transpose %slice3A_39, [1, 0] : vector<16x1024xf32> -> vector<1024x16xf32>
    %iota3A_41 = tpu.iota {dimensions = array<i32: 1>} : vector<16x128xi32>
    %iota3A_42 = tpu.iota {dimensions = array<i32: 0>} : vector<16x128xi32>
    %add3A_43 = arith.constant 48 : i32
    %add3A_44 = vector.broadcast %add3A_43 : i32 to vector<16x128xi32>
    %add3A_45 = arith.addi %iota3A_42, %add3A_44 : vector<16x128xi32>
    %eq3A_46 = arith.cmpi eq, %iota3A_41, %add3A_45 : vector<16x128xi32>
    %convert_element_type3A_47 = arith.extui %eq3A_46 : vector<16x128xi1> to vector<16x128xi32>
    %convert_element_type3A_48 = arith.sitofp %convert_element_type3A_47 : vector<16x128xi32> to vector<16x128xf32>
    %dot_general3A_49 = arith.constant dense<0.000000e+00> : vector<1024x128xf32>
    %dot_general3A_50 = tpu.matmul %transpose3A_40, %convert_element_type3A_48, %dot_general3A_49 {dimension_numbers = #tpu.dot_dimension_numbers<[1], [0], [0], [1], [0, 0, 1, 1], [], []>, transpose_lhs_hint = false} : vector<1024x16xf32>, vector<16x128xf32>, vector<1024x128xf32> -> vector<1024x128xf32>
    %add3A_51 = arith.addf %add3A_38, %dot_general3A_50 : vector<1024x128xf32>
    %slice3A_52 = vector.extract_strided_slice %select_n3A {offsets = [0, 4096], sizes = [16, 1024], strides = [1, 1]} : vector<16x8192xf32> to vector<16x1024xf32>
    %transpose3A_53 = tpu.transpose %slice3A_52, [1, 0] : vector<16x1024xf32> -> vector<1024x16xf32>
    %iota3A_54 = tpu.iota {dimensions = array<i32: 1>} : vector<16x128xi32>
    %iota3A_55 = tpu.iota {dimensions = array<i32: 0>} : vector<16x128xi32>
    %add3A_56 = arith.constant 64 : i32
    %add3A_57 = vector.broadcast %add3A_56 : i32 to vector<16x128xi32>
    %add3A_58 = arith.addi %iota3A_55, %add3A_57 : vector<16x128xi32>
    %eq3A_59 = arith.cmpi eq, %iota3A_54, %add3A_58 : vector<16x128xi32>
    %convert_element_type3A_60 = arith.extui %eq3A_59 : vector<16x128xi1> to vector<16x128xi32>
    %convert_element_type3A_61 = arith.sitofp %convert_element_type3A_60 : vector<16x128xi32> to vector<16x128xf32>
    %dot_general3A_62 = arith.constant dense<0.000000e+00> : vector<1024x128xf32>
    %dot_general3A_63 = tpu.matmul %transpose3A_53, %convert_element_type3A_61, %dot_general3A_62 {dimension_numbers = #tpu.dot_dimension_numbers<[1], [0], [0], [1], [0, 0, 1, 1], [], []>, transpose_lhs_hint = false} : vector<1024x16xf32>, vector<16x128xf32>, vector<1024x128xf32> -> vector<1024x128xf32>
    %add3A_64 = arith.addf %add3A_51, %dot_general3A_63 : vector<1024x128xf32>
    %slice3A_65 = vector.extract_strided_slice %select_n3A {offsets = [0, 5120], sizes = [16, 1024], strides = [1, 1]} : vector<16x8192xf32> to vector<16x1024xf32>
    %transpose3A_66 = tpu.transpose %slice3A_65, [1, 0] : vector<16x1024xf32> -> vector<1024x16xf32>
    %iota3A_67 = tpu.iota {dimensions = array<i32: 1>} : vector<16x128xi32>
    %iota3A_68 = tpu.iota {dimensions = array<i32: 0>} : vector<16x128xi32>
    %add3A_69 = arith.constant 80 : i32
    %add3A_70 = vector.broadcast %add3A_69 : i32 to vector<16x128xi32>
    %add3A_71 = arith.addi %iota3A_68, %add3A_70 : vector<16x128xi32>
    %eq3A_72 = arith.cmpi eq, %iota3A_67, %add3A_71 : vector<16x128xi32>
    %convert_element_type3A_73 = arith.extui %eq3A_72 : vector<16x128xi1> to vector<16x128xi32>
    %convert_element_type3A_74 = arith.sitofp %convert_element_type3A_73 : vector<16x128xi32> to vector<16x128xf32>
    %dot_general3A_75 = arith.constant dense<0.000000e+00> : vector<1024x128xf32>
    %dot_general3A_76 = tpu.matmul %transpose3A_66, %convert_element_type3A_74, %dot_general3A_75 {dimension_numbers = #tpu.dot_dimension_numbers<[1], [0], [0], [1], [0, 0, 1, 1], [], []>, transpose_lhs_hint = false} : vector<1024x16xf32>, vector<16x128xf32>, vector<1024x128xf32> -> vector<1024x128xf32>
    %add3A_77 = arith.addf %add3A_64, %dot_general3A_76 : vector<1024x128xf32>
    %slice3A_78 = vector.extract_strided_slice %select_n3A {offsets = [0, 6144], sizes = [16, 1024], strides = [1, 1]} : vector<16x8192xf32> to vector<16x1024xf32>
    %transpose3A_79 = tpu.transpose %slice3A_78, [1, 0] : vector<16x1024xf32> -> vector<1024x16xf32>
    %iota3A_80 = tpu.iota {dimensions = array<i32: 1>} : vector<16x128xi32>
    %iota3A_81 = tpu.iota {dimensions = array<i32: 0>} : vector<16x128xi32>
    %add3A_82 = arith.constant 96 : i32
    %add3A_83 = vector.broadcast %add3A_82 : i32 to vector<16x128xi32>
    %add3A_84 = arith.addi %iota3A_81, %add3A_83 : vector<16x128xi32>
    %eq3A_85 = arith.cmpi eq, %iota3A_80, %add3A_84 : vector<16x128xi32>
    %convert_element_type3A_86 = arith.extui %eq3A_85 : vector<16x128xi1> to vector<16x128xi32>
    %convert_element_type3A_87 = arith.sitofp %convert_element_type3A_86 : vector<16x128xi32> to vector<16x128xf32>
    %dot_general3A_88 = arith.constant dense<0.000000e+00> : vector<1024x128xf32>
    %dot_general3A_89 = tpu.matmul %transpose3A_79, %convert_element_type3A_87, %dot_general3A_88 {dimension_numbers = #tpu.dot_dimension_numbers<[1], [0], [0], [1], [0, 0, 1, 1], [], []>, transpose_lhs_hint = false} : vector<1024x16xf32>, vector<16x128xf32>, vector<1024x128xf32> -> vector<1024x128xf32>
    %add3A_90 = arith.addf %add3A_77, %dot_general3A_89 : vector<1024x128xf32>
    %slice3A_91 = vector.extract_strided_slice %select_n3A {offsets = [0, 7168], sizes = [16, 1024], strides = [1, 1]} : vector<16x8192xf32> to vector<16x1024xf32>
    %transpose3A_92 = tpu.transpose %slice3A_91, [1, 0] : vector<16x1024xf32> -> vector<1024x16xf32>
    %iota3A_93 = tpu.iota {dimensions = array<i32: 1>} : vector<16x128xi32>
    %iota3A_94 = tpu.iota {dimensions = array<i32: 0>} : vector<16x128xi32>
    %add3A_95 = arith.constant 112 : i32
    %add3A_96 = vector.broadcast %add3A_95 : i32 to vector<16x128xi32>
    %add3A_97 = arith.addi %iota3A_94, %add3A_96 : vector<16x128xi32>
    %eq3A_98 = arith.cmpi eq, %iota3A_93, %add3A_97 : vector<16x128xi32>
    %convert_element_type3A_99 = arith.extui %eq3A_98 : vector<16x128xi1> to vector<16x128xi32>
    %convert_element_type3A_100 = arith.sitofp %convert_element_type3A_99 : vector<16x128xi32> to vector<16x128xf32>
    %dot_general3A_101 = arith.constant dense<0.000000e+00> : vector<1024x128xf32>
    %dot_general3A_102 = tpu.matmul %transpose3A_92, %convert_element_type3A_100, %dot_general3A_101 {dimension_numbers = #tpu.dot_dimension_numbers<[1], [0], [0], [1], [0, 0, 1, 1], [], []>, transpose_lhs_hint = false} : vector<1024x16xf32>, vector<16x128xf32>, vector<1024x128xf32> -> vector<1024x128xf32>
    %add3A_103 = arith.addf %add3A_90, %dot_general3A_102 : vector<1024x128xf32>
    %swap3A = arith.constant 0 : index
    %swap3A_104 = arith.constant 0 : index
    %swap3A_105 = vector.load %arg3[%swap3A, %swap3A_104] : memref<1024x128xf32, #tpu.memory_space<vmem>>, vector<1024x128xf32>
    tpu.vector_store %arg3[%swap3A, %swap3A_104], %add3A_103 {strides = array<i32>} : memref<1024x128xf32, #tpu.memory_space<vmem>>, vector<1024x128xf32>,
    %get3A_106 = arith.constant 0 : index
    %get3A_107 = arith.constant 0 : index
    %get3A_108 = vector.load %arg2[%get3A_106, %get3A_107] : memref<16x8192xf32, #tpu.memory_space<vmem>>, vector<16x8192xf32>
    %iota3A_109 = tpu.iota {dimensions = array<i32: 1>} : vector<16x8192xi32>
    %add3A_110 = vector.broadcast %mul3A_0 : i32 to vector<16x8192xi32>
    %add3A_111 = arith.addi %add3A_110, %iota3A_109 : vector<16x8192xi32>
    %lt3A_112 = arith.constant 1000000 : i32
    %lt3A_113 = vector.broadcast %lt3A_112 : i32 to vector<16x8192xi32>
    %lt3A_114 = arith.cmpi slt, %add3A_111, %lt3A_113 : vector<16x8192xi32>
    %jit3A_115 = arith.constant 0.000000e+00 : f32
    %broadcast_in_dim3A_116 = vector.broadcast %jit3A_115 : f32 to vector<16x8192xf32>
    %select_n3A_117 = arith.select %lt3A_114, %get3A_108, %broadcast_in_dim3A_116 : vector<16x8192xi1>, vector<16x8192xf32>
    %slice3A_118 = vector.extract_strided_slice %select_n3A_117 {offsets = [0, 0], sizes = [16, 1024], strides = [1, 1]} : vector<16x8192xf32> to vector<16x1024xf32>
    %transpose3A_119 = tpu.transpose %slice3A_118, [1, 0] : vector<16x1024xf32> -> vector<1024x16xf32>
    %iota3A_120 = tpu.iota {dimensions = array<i32: 1>} : vector<16x128xi32>
    %iota3A_121 = tpu.iota {dimensions = array<i32: 0>} : vector<16x128xi32>
    %add3A_122 = arith.constant 0 : i32
    %add3A_123 = vector.broadcast %add3A_122 : i32 to vector<16x128xi32>
    %add3A_124 = arith.addi %iota3A_121, %add3A_123 : vector<16x128xi32>
    %eq3A_125 = arith.cmpi eq, %iota3A_120, %add3A_124 : vector<16x128xi32>
    %convert_element_type3A_126 = arith.extui %eq3A_125 : vector<16x128xi1> to vector<16x128xi32>
    %convert_element_type3A_127 = arith.sitofp %convert_element_type3A_126 : vector<16x128xi32> to vector<16x128xf32>
    %dot_general3A_128 = arith.constant dense<0.000000e+00> : vector<1024x128xf32>
    %dot_general3A_129 = tpu.matmul %transpose3A_119, %convert_element_type3A_127, %dot_general3A_128 {dimension_numbers = #tpu.dot_dimension_numbers<[1], [0], [0], [1], [0, 0, 1, 1], [], []>, transpose_lhs_hint = false} : vector<1024x16xf32>, vector<16x128xf32>, vector<1024x128xf32> -> vector<1024x128xf32>
    %slice3A_130 = vector.extract_strided_slice %select_n3A_117 {offsets = [0, 1024], sizes = [16, 1024], strides = [1, 1]} : vector<16x8192xf32> to vector<16x1024xf32>
    %transpose3A_131 = tpu.transpose %slice3A_130, [1, 0] : vector<16x1024xf32> -> vector<1024x16xf32>
    %iota3A_132 = tpu.iota {dimensions = array<i32: 1>} : vector<16x128xi32>
    %iota3A_133 = tpu.iota {dimensions = array<i32: 0>} : vector<16x128xi32>
    %add3A_134 = arith.constant 16 : i32
    %add3A_135 = vector.broadcast %add3A_134 : i32 to vector<16x128xi32>
    %add3A_136 = arith.addi %iota3A_133, %add3A_135 : vector<16x128xi32>
    %eq3A_137 = arith.cmpi eq, %iota3A_132, %add3A_136 : vector<16x128xi32>
    %convert_element_type3A_138 = arith.extui %eq3A_137 : vector<16x128xi1> to vector<16x128xi32>
    %convert_element_type3A_139 = arith.sitofp %convert_element_type3A_138 : vector<16x128xi32> to vector<16x128xf32>
    %dot_general3A_140 = arith.constant dense<0.000000e+00> : vector<1024x128xf32>
    %dot_general3A_141 = tpu.matmul %transpose3A_131, %convert_element_type3A_139, %dot_general3A_140 {dimension_numbers = #tpu.dot_dimension_numbers<[1], [0], [0], [1], [0, 0, 1, 1], [], []>, transpose_lhs_hint = false} : vector<1024x16xf32>, vector<16x128xf32>, vector<1024x128xf32> -> vector<1024x128xf32>
    %add3A_142 = arith.addf %dot_general3A_129, %dot_general3A_141 : vector<1024x128xf32>
    %slice3A_143 = vector.extract_strided_slice %select_n3A_117 {offsets = [0, 2048], sizes = [16, 1024], strides = [1, 1]} : vector<16x8192xf32> to vector<16x1024xf32>
    %transpose3A_144 = tpu.transpose %slice3A_143, [1, 0] : vector<16x1024xf32> -> vector<1024x16xf32>
    %iota3A_145 = tpu.iota {dimensions = array<i32: 1>} : vector<16x128xi32>
    %iota3A_146 = tpu.iota {dimensions = array<i32: 0>} : vector<16x128xi32>
    %add3A_147 = arith.constant 32 : i32
    %add3A_148 = vector.broadcast %add3A_147 : i32 to vector<16x128xi32>
    %add3A_149 = arith.addi %iota3A_146, %add3A_148 : vector<16x128xi32>
    %eq3A_150 = arith.cmpi eq, %iota3A_145, %add3A_149 : vector<16x128xi32>
    %convert_element_type3A_151 = arith.extui %eq3A_150 : vector<16x128xi1> to vector<16x128xi32>
    %convert_element_type3A_152 = arith.sitofp %convert_element_type3A_151 : vector<16x128xi32> to vector<16x128xf32>
    %dot_general3A_153 = arith.constant dense<0.000000e+00> : vector<1024x128xf32>
    %dot_general3A_154 = tpu.matmul %transpose3A_144, %convert_element_type3A_152, %dot_general3A_153 {dimension_numbers = #tpu.dot_dimension_numbers<[1], [0], [0], [1], [0, 0, 1, 1], [], []>, transpose_lhs_hint = false} : vector<1024x16xf32>, vector<16x128xf32>, vector<1024x128xf32> -> vector<1024x128xf32>
    %add3A_155 = arith.addf %add3A_142, %dot_general3A_154 : vector<1024x128xf32>
    %slice3A_156 = vector.extract_strided_slice %select_n3A_117 {offsets = [0, 3072], sizes = [16, 1024], strides = [1, 1]} : vector<16x8192xf32> to vector<16x1024xf32>
    %transpose3A_157 = tpu.transpose %slice3A_156, [1, 0] : vector<16x1024xf32> -> vector<1024x16xf32>
    %iota3A_158 = tpu.iota {dimensions = array<i32: 1>} : vector<16x128xi32>
    %iota3A_159 = tpu.iota {dimensions = array<i32: 0>} : vector<16x128xi32>
    %add3A_160 = arith.constant 48 : i32
    %add3A_161 = vector.broadcast %add3A_160 : i32 to vector<16x128xi32>
    %add3A_162 = arith.addi %iota3A_159, %add3A_161 : vector<16x128xi32>
    %eq3A_163 = arith.cmpi eq, %iota3A_158, %add3A_162 : vector<16x128xi32>
    %convert_element_type3A_164 = arith.extui %eq3A_163 : vector<16x128xi1> to vector<16x128xi32>
    %convert_element_type3A_165 = arith.sitofp %convert_element_type3A_164 : vector<16x128xi32> to vector<16x128xf32>
    %dot_general3A_166 = arith.constant dense<0.000000e+00> : vector<1024x128xf32>
    %dot_general3A_167 = tpu.matmul %transpose3A_157, %convert_element_type3A_165, %dot_general3A_166 {dimension_numbers = #tpu.dot_dimension_numbers<[1], [0], [0], [1], [0, 0, 1, 1], [], []>, transpose_lhs_hint = false} : vector<1024x16xf32>, vector<16x128xf32>, vector<1024x128xf32> -> vector<1024x128xf32>
    %add3A_168 = arith.addf %add3A_155, %dot_general3A_167 : vector<1024x128xf32>
    %slice3A_169 = vector.extract_strided_slice %select_n3A_117 {offsets = [0, 4096], sizes = [16, 1024], strides = [1, 1]} : vector<16x8192xf32> to vector<16x1024xf32>
    %transpose3A_170 = tpu.transpose %slice3A_169, [1, 0] : vector<16x1024xf32> -> vector<1024x16xf32>
    %iota3A_171 = tpu.iota {dimensions = array<i32: 1>} : vector<16x128xi32>
    %iota3A_172 = tpu.iota {dimensions = array<i32: 0>} : vector<16x128xi32>
    %add3A_173 = arith.constant 64 : i32
    %add3A_174 = vector.broadcast %add3A_173 : i32 to vector<16x128xi32>
    %add3A_175 = arith.addi %iota3A_172, %add3A_174 : vector<16x128xi32>
    %eq3A_176 = arith.cmpi eq, %iota3A_171, %add3A_175 : vector<16x128xi32>
    %convert_element_type3A_177 = arith.extui %eq3A_176 : vector<16x128xi1> to vector<16x128xi32>
    %convert_element_type3A_178 = arith.sitofp %convert_element_type3A_177 : vector<16x128xi32> to vector<16x128xf32>
    %dot_general3A_179 = arith.constant dense<0.000000e+00> : vector<1024x128xf32>
    %dot_general3A_180 = tpu.matmul %transpose3A_170, %convert_element_type3A_178, %dot_general3A_179 {dimension_numbers = #tpu.dot_dimension_numbers<[1], [0], [0], [1], [0, 0, 1, 1], [], []>, transpose_lhs_hint = false} : vector<1024x16xf32>, vector<16x128xf32>, vector<1024x128xf32> -> vector<1024x128xf32>
    %add3A_181 = arith.addf %add3A_168, %dot_general3A_180 : vector<1024x128xf32>
    %slice3A_182 = vector.extract_strided_slice %select_n3A_117 {offsets = [0, 5120], sizes = [16, 1024], strides = [1, 1]} : vector<16x8192xf32> to vector<16x1024xf32>
    %transpose3A_183 = tpu.transpose %slice3A_182, [1, 0] : vector<16x1024xf32> -> vector<1024x16xf32>
    %iota3A_184 = tpu.iota {dimensions = array<i32: 1>} : vector<16x128xi32>
    %iota3A_185 = tpu.iota {dimensions = array<i32: 0>} : vector<16x128xi32>
    %add3A_186 = arith.constant 80 : i32
    %add3A_187 = vector.broadcast %add3A_186 : i32 to vector<16x128xi32>
    %add3A_188 = arith.addi %iota3A_185, %add3A_187 : vector<16x128xi32>
    %eq3A_189 = arith.cmpi eq, %iota3A_184, %add3A_188 : vector<16x128xi32>
    %convert_element_type3A_190 = arith.extui %eq3A_189 : vector<16x128xi1> to vector<16x128xi32>
    %convert_element_type3A_191 = arith.sitofp %convert_element_type3A_190 : vector<16x128xi32> to vector<16x128xf32>
    %dot_general3A_192 = arith.constant dense<0.000000e+00> : vector<1024x128xf32>
    %dot_general3A_193 = tpu.matmul %transpose3A_183, %convert_element_type3A_191, %dot_general3A_192 {dimension_numbers = #tpu.dot_dimension_numbers<[1], [0], [0], [1], [0, 0, 1, 1], [], []>, transpose_lhs_hint = false} : vector<1024x16xf32>, vector<16x128xf32>, vector<1024x128xf32> -> vector<1024x128xf32>
    %add3A_194 = arith.addf %add3A_181, %dot_general3A_193 : vector<1024x128xf32>
    %slice3A_195 = vector.extract_strided_slice %select_n3A_117 {offsets = [0, 6144], sizes = [16, 1024], strides = [1, 1]} : vector<16x8192xf32> to vector<16x1024xf32>
    %transpose3A_196 = tpu.transpose %slice3A_195, [1, 0] : vector<16x1024xf32> -> vector<1024x16xf32>
    %iota3A_197 = tpu.iota {dimensions = array<i32: 1>} : vector<16x128xi32>
    %iota3A_198 = tpu.iota {dimensions = array<i32: 0>} : vector<16x128xi32>
    %add3A_199 = arith.constant 96 : i32
    %add3A_200 = vector.broadcast %add3A_199 : i32 to vector<16x128xi32>
    %add3A_201 = arith.addi %iota3A_198, %add3A_200 : vector<16x128xi32>
    %eq3A_202 = arith.cmpi eq, %iota3A_197, %add3A_201 : vector<16x128xi32>
    %convert_element_type3A_203 = arith.extui %eq3A_202 : vector<16x128xi1> to vector<16x128xi32>
    %convert_element_type3A_204 = arith.sitofp %convert_element_type3A_203 : vector<16x128xi32> to vector<16x128xf32>
    %dot_general3A_205 = arith.constant dense<0.000000e+00> : vector<1024x128xf32>
    %dot_general3A_206 = tpu.matmul %transpose3A_196, %convert_element_type3A_204, %dot_general3A_205 {dimension_numbers = #tpu.dot_dimension_numbers<[1], [0], [0], [1], [0, 0, 1, 1], [], []>, transpose_lhs_hint = false} : vector<1024x16xf32>, vector<16x128xf32>, vector<1024x128xf32> -> vector<1024x128xf32>
    %add3A_207 = arith.addf %add3A_194, %dot_general3A_206 : vector<1024x128xf32>
    %slice3A_208 = vector.extract_strided_slice %select_n3A_117 {offsets = [0, 7168], sizes = [16, 1024], strides = [1, 1]} : vector<16x8192xf32> to vector<16x1024xf32>
    %transpose3A_209 = tpu.transpose %slice3A_208, [1, 0] : vector<16x1024xf32> -> vector<1024x16xf32>
    %iota3A_210 = tpu.iota {dimensions = array<i32: 1>} : vector<16x128xi32>
    %iota3A_211 = tpu.iota {dimensions = array<i32: 0>} : vector<16x128xi32>
    %add3A_212 = arith.constant 112 : i32
    %add3A_213 = vector.broadcast %add3A_212 : i32 to vector<16x128xi32>
    %add3A_214 = arith.addi %iota3A_211, %add3A_213 : vector<16x128xi32>
    %eq3A_215 = arith.cmpi eq, %iota3A_210, %add3A_214 : vector<16x128xi32>
    %convert_element_type3A_216 = arith.extui %eq3A_215 : vector<16x128xi1> to vector<16x128xi32>
    %convert_element_type3A_217 = arith.sitofp %convert_element_type3A_216 : vector<16x128xi32> to vector<16x128xf32>
    %dot_general3A_218 = arith.constant dense<0.000000e+00> : vector<1024x128xf32>
    %dot_general3A_219 = tpu.matmul %transpose3A_209, %convert_element_type3A_217, %dot_general3A_218 {dimension_numbers = #tpu.dot_dimension_numbers<[1], [0], [0], [1], [0, 0, 1, 1], [], []>, transpose_lhs_hint = false} : vector<1024x16xf32>, vector<16x128xf32>, vector<1024x128xf32> -> vector<1024x128xf32>
    %add3A_220 = arith.addf %add3A_207, %dot_general3A_219 : vector<1024x128xf32>
    %swap3A_221 = arith.constant 0 : index
    %swap3A_222 = arith.constant 0 : index
    %swap3A_223 = vector.load %arg4[%swap3A_221, %swap3A_222] : memref<1024x128xf32, #tpu.memory_space<vmem>>, vector<1024x128xf32>
    tpu.vector_store %arg4[%swap3A_221, %swap3A_222], %add3A_220 {strides = array<i32>} : memref<1024x128xf32, #tpu.memory_space<vmem>>, vector<1024x128xf32>,
    return
  }
  func.func @transform_0(%arg0: i32) -> (i32, i32) {
    %c0_i32 = arith.constant 0 : i32
    %c0_i32_0 = arith.constant 0 : i32
    return %c0_i32, %arg0 : i32, i32
  }
  func.func @transform_1(%arg0: i32) -> (i32, i32) {
    %c0_i32 = arith.constant 0 : i32
    %c0_i32_0 = arith.constant 0 : i32
    return %c0_i32, %arg0 : i32, i32
  }
  func.func @transform_2(%arg0: i32) -> (i32, i32) {
    %c0_i32 = arith.constant 0 : i32
    %c0_i32_0 = arith.constant 0 : i32
    return %arg0, %c0_i32 : i32, i32
  }
  func.func @transform_3(%arg0: i32) -> (i32, i32) {
    %c0_i32 = arith.constant 0 : i32
    %c0_i32_0 = arith.constant 0 : i32
    return %arg0, %c0_i32 : i32, i32
  }
}

module attributes {stable_mosaic.version = 14 : i64} {
  func.func @_permute_body(%arg0: i32, %arg1: memref<50x1024xi32, #tpu.memory_space<vmem>>, %arg2: memref<50x1024xi32, #tpu.memory_space<vmem>>, %arg3: memref<128x50x8xi32, #tpu.memory_space<vmem>>, %arg4: memref<128x50x8xi32, #tpu.memory_space<vmem>>) attributes {dimension_semantics = [#tpu.dimension_semantics<parallel>], iteration_bounds = array<i64: 16>, scalar_prefetch = 0 : i64, scratch_operands = 0 : i64, tpu.core_type = #tpu.core_type<tc>, window_params = [{transform_indices = @transform_0, window_bounds = array<i64: 50, 1024>}, {transform_indices = @transform_1, window_bounds = array<i64: 50, 1024>}, {transform_indices = @transform_2, window_bounds = array<i64: 128, 50, 8>}, {transform_indices = @transform_3, window_bounds = array<i64: 128, 50, 8>}]} {
    %get3A = arith.constant 0 : index
    %get3A_0 = arith.constant 0 : index
    %get3A_1 = vector.load %arg1[%get3A, %get3A_0] : memref<50x1024xi32, #tpu.memory_space<vmem>>, vector<50x1024xi32>
    %transpose3A = tpu.transpose %get3A_1, [1, 0] : vector<50x1024xi32> -> vector<1024x50xi32>
    %reshape3A = vector.shape_cast %transpose3A : vector<1024x50xi32> to vector<128x8x50xi32>
    %transpose3A_2 = tpu.transpose %reshape3A, [0, 2, 1] : vector<128x8x50xi32> -> vector<128x50x8xi32>
    %shift_right_arithmetic3A = arith.constant 13 : i32
    %shift_right_arithmetic3A_3 = vector.broadcast %shift_right_arithmetic3A : i32 to vector<128x50x8xi32>
    %shift_right_arithmetic3A_4 = arith.shrsi %transpose3A_2, %shift_right_arithmetic3A_3 : vector<128x50x8xi32>
    %shift_left3A = arith.constant 13 : i32
    %shift_left3A_5 = vector.broadcast %shift_left3A : i32 to vector<128x50x8xi32>
    %shift_left3A_6 = arith.shli %shift_right_arithmetic3A_4, %shift_left3A_5 : vector<128x50x8xi32>
    %and3A = arith.constant 1023 : i32
    %and3A_7 = vector.broadcast %and3A : i32 to vector<128x50x8xi32>
    %and3A_8 = arith.andi %transpose3A_2, %and3A_7 : vector<128x50x8xi32>
    %shift_left3A_9 = arith.constant 3 : i32
    %shift_left3A_10 = vector.broadcast %shift_left3A_9 : i32 to vector<128x50x8xi32>
    %shift_left3A_11 = arith.shli %and3A_8, %shift_left3A_10 : vector<128x50x8xi32>
    %or3A = arith.ori %shift_left3A_6, %shift_left3A_11 : vector<128x50x8xi32>
    %shift_right_arithmetic3A_12 = arith.constant 10 : i32
    %shift_right_arithmetic3A_13 = vector.broadcast %shift_right_arithmetic3A_12 : i32 to vector<128x50x8xi32>
    %shift_right_arithmetic3A_14 = arith.shrsi %transpose3A_2, %shift_right_arithmetic3A_13 : vector<128x50x8xi32>
    %and3A_15 = arith.constant 7 : i32
    %and3A_16 = vector.broadcast %and3A_15 : i32 to vector<128x50x8xi32>
    %and3A_17 = arith.andi %shift_right_arithmetic3A_14, %and3A_16 : vector<128x50x8xi32>
    %or3A_18 = arith.ori %or3A, %and3A_17 : vector<128x50x8xi32>
    %swap3A = arith.constant 0 : index
    %swap3A_19 = arith.constant 0 : index
    %swap3A_20 = arith.constant 0 : index
    %swap3A_21 = vector.load %arg3[%swap3A, %swap3A_19, %swap3A_20] : memref<128x50x8xi32, #tpu.memory_space<vmem>>, vector<128x50x8xi32>
    tpu.vector_store %arg3[%swap3A, %swap3A_19, %swap3A_20], %or3A_18 {strides = array<i32>} : memref<128x50x8xi32, #tpu.memory_space<vmem>>, vector<128x50x8xi32>,
    %get3A_22 = arith.constant 0 : index
    %get3A_23 = arith.constant 0 : index
    %get3A_24 = vector.load %arg2[%get3A_22, %get3A_23] : memref<50x1024xi32, #tpu.memory_space<vmem>>, vector<50x1024xi32>
    %transpose3A_25 = tpu.transpose %get3A_24, [1, 0] : vector<50x1024xi32> -> vector<1024x50xi32>
    %reshape3A_26 = vector.shape_cast %transpose3A_25 : vector<1024x50xi32> to vector<128x8x50xi32>
    %transpose3A_27 = tpu.transpose %reshape3A_26, [0, 2, 1] : vector<128x8x50xi32> -> vector<128x50x8xi32>
    %swap3A_28 = arith.constant 0 : index
    %swap3A_29 = arith.constant 0 : index
    %swap3A_30 = arith.constant 0 : index
    %swap3A_31 = vector.load %arg4[%swap3A_28, %swap3A_29, %swap3A_30] : memref<128x50x8xi32, #tpu.memory_space<vmem>>, vector<128x50x8xi32>
    tpu.vector_store %arg4[%swap3A_28, %swap3A_29, %swap3A_30], %transpose3A_27 {strides = array<i32>} : memref<128x50x8xi32, #tpu.memory_space<vmem>>, vector<128x50x8xi32>,
    return
  }
  func.func @transform_0(%arg0: i32) -> (i32, i32) {
    %c0_i32 = arith.constant 0 : i32
    %c0_i32_0 = arith.constant 0 : i32
    return %c0_i32, %arg0 : i32, i32
  }
  func.func @transform_1(%arg0: i32) -> (i32, i32) {
    %c0_i32 = arith.constant 0 : i32
    %c0_i32_0 = arith.constant 0 : i32
    return %c0_i32, %arg0 : i32, i32
  }
  func.func @transform_2(%arg0: i32) -> (i32, i32, i32) {
    %c0_i32 = arith.constant 0 : i32
    %c0_i32_0 = arith.constant 0 : i32
    %c0_i32_1 = arith.constant 0 : i32
    return %arg0, %c0_i32, %c0_i32_0 : i32, i32, i32
  }
  func.func @transform_3(%arg0: i32) -> (i32, i32, i32) {
    %c0_i32 = arith.constant 0 : i32
    %c0_i32_0 = arith.constant 0 : i32
    %c0_i32_1 = arith.constant 0 : i32
    return %arg0, %c0_i32, %c0_i32_0 : i32, i32, i32
  }
}

module attributes {stable_mosaic.version = 14 : i64} {
  func.func @_tc_body(%arg0: i32, %arg1: memref<800x128xf32, #tpu.memory_space<vmem>>, %arg2: memref<16x50x8xi32, #tpu.memory_space<vmem>>, %arg3: memref<16x128xf32, #tpu.memory_space<vmem>>, %arg4: memref<40x128xf32, #tpu.memory_space<vmem>>, %arg5: memref<128x128xf32, #tpu.memory_space<vmem>>, %arg6: memref<128x128xf32, #tpu.memory_space<vmem>>, %arg7: memref<1x128xf32, #tpu.memory_space<vmem>>, %arg8: memref<128x128xf32, #tpu.memory_space<vmem>>, %arg9: memref<128x128xf32, #tpu.memory_space<vmem>>, %arg10: memref<1x128xf32, #tpu.memory_space<vmem>>, %arg11: memref<128x128xf32, #tpu.memory_space<vmem>>, %arg12: memref<1x128xf32, #tpu.memory_space<vmem>>, %arg13: memref<128x8xf32, #tpu.memory_space<vmem>>, %arg14: memref<8x128xf32, #tpu.memory_space<vmem>>, %arg15: memref<8x40xf32, #tpu.memory_space<vmem>>, %arg16: memref<16x128xf32, #tpu.memory_space<vmem>>) attributes {dimension_semantics = [#tpu.dimension_semantics<parallel>], iteration_bounds = array<i64: 128>, scalar_prefetch = 0 : i64, scratch_operands = 0 : i64, tpu.core_type = #tpu.core_type<tc>, window_params = [{transform_indices = @transform_0, window_bounds = array<i64: 800, 128>}, {transform_indices = @transform_1, window_bounds = array<i64: 16, 50, 8>}, {transform_indices = @transform_2, window_bounds = array<i64: 16, 128>}, {pipeline_mode = #tpu.pipeline_mode<synchronous>, transform_indices = @transform_3, window_bounds = array<i64: 40, 128>}, {pipeline_mode = #tpu.pipeline_mode<synchronous>, transform_indices = @transform_4, window_bounds = array<i64: 128, 128>}, {pipeline_mode = #tpu.pipeline_mode<synchronous>, transform_indices = @transform_5, window_bounds = array<i64: 128, 128>}, {pipeline_mode = #tpu.pipeline_mode<synchronous>, transform_indices = @transform_6, window_bounds = array<i64: 1, 128>}, {pipeline_mode = #tpu.pipeline_mode<synchronous>, transform_indices = @transform_7, window_bounds = array<i64: 128, 128>}, {pipeline_mode = #tpu.pipeline_mode<synchronous>, transform_indices = @transform_8, window_bounds = array<i64: 128, 128>}, {pipeline_mode = #tpu.pipeline_mode<synchronous>, transform_indices = @transform_9, window_bounds = array<i64: 1, 128>}, {pipeline_mode = #tpu.pipeline_mode<synchronous>, transform_indices = @transform_10, window_bounds = array<i64: 128, 128>}, {pipeline_mode = #tpu.pipeline_mode<synchronous>, transform_indices = @transform_11, window_bounds = array<i64: 1, 128>}, {pipeline_mode = #tpu.pipeline_mode<synchronous>, transform_indices = @transform_12, window_bounds = array<i64: 128, 8>}, {pipeline_mode = #tpu.pipeline_mode<synchronous>, transform_indices = @transform_13, window_bounds = array<i64: 8, 128>}, {pipeline_mode = #tpu.pipeline_mode<synchronous>, transform_indices = @transform_14, window_bounds = array<i64: 8, 40>}, {transform_indices = @transform_15, window_bounds = array<i64: 16, 128>}]} {
    %get3A = arith.constant 0 : index
    %get3A_0 = arith.constant 0 : index
    %get3A_1 = vector.load %arg1[%get3A, %get3A_0] : memref<800x128xf32, #tpu.memory_space<vmem>>, vector<800x128xf32>
    %get3A_2 = arith.constant 0 : index
    %get3A_3 = arith.constant 0 : index
    %get3A_4 = arith.constant 0 : index
    %get3A_5 = vector.load %arg2[%get3A_2, %get3A_3, %get3A_4] : memref<16x50x8xi32, #tpu.memory_space<vmem>>, vector<16x50x8xi32>
    %reshape3A = vector.shape_cast %get3A_5 : vector<16x50x8xi32> to vector<800x8xi32>
    %convert_element_type3A = arith.sitofp %reshape3A : vector<800x8xi32> to vector<800x8xf32>
    %get3A_6 = arith.constant 0 : index
    %get3A_7 = arith.constant 0 : index
    %get3A_8 = vector.load %arg15[%get3A_6, %get3A_7] : memref<8x40xf32, #tpu.memory_space<vmem>>, vector<8x40xf32>
    %dot_general3A = arith.constant dense<0.000000e+00> : vector<800x40xf32>
    %dot_general3A_9 = tpu.matmul %convert_element_type3A, %get3A_8, %dot_general3A {dimension_numbers = #tpu.dot_dimension_numbers<[1], [0], [0], [1], [0, 0, 1, 1], [], []>, transpose_lhs_hint = false} : vector<800x8xf32>, vector<8x40xf32>, vector<800x40xf32> -> vector<800x40xf32>
    %iota3A = tpu.iota {dimensions = array<i32: 1>} : vector<800x40xi32>
    %jit3A = arith.constant 5 : i32
    %eq3A = arith.constant 0 : i32
    %eq3A_10 = arith.cmpi eq, %jit3A, %eq3A : i32
    %jit3A_11 = arith.constant 1 : i32
    %select_n3A = arith.select %eq3A_10, %jit3A_11, %jit3A : i32
    %rem3A = vector.broadcast %select_n3A : i32 to vector<800x40xi32>
    %rem3A_12 = arith.remsi %iota3A, %rem3A : vector<800x40xi32>
    %ne3A = arith.constant 0 : i32
    %ne3A_13 = vector.broadcast %ne3A : i32 to vector<800x40xi32>
    %ne3A_14 = arith.cmpi ne, %rem3A_12, %ne3A_13 : vector<800x40xi32>
    %lt3A = arith.constant 0 : i32
    %lt3A_15 = vector.broadcast %lt3A : i32 to vector<800x40xi32>
    %lt3A_16 = arith.cmpi slt, %rem3A_12, %lt3A_15 : vector<800x40xi32>
    %lt3A_17 = arith.constant 0 : i32
    %lt3A_18 = arith.cmpi slt, %select_n3A, %lt3A_17 : i32
    %ne3A_19 = vector.broadcast %lt3A_18 : i1 to vector<800x40xi1>
    %ne3A_20 = vector.broadcast %ne3A_19 : vector<800x40xi1> to vector<800x40xi1>
    %ne3A_21 = arith.xori %lt3A_16, %ne3A_20 : vector<800x40xi1>
    %and3A = arith.andi %ne3A_21, %ne3A_14 : vector<800x40xi1>
    %add3A = vector.broadcast %select_n3A : i32 to vector<800x40xi32>
    %add3A_22 = arith.addi %rem3A_12, %add3A : vector<800x40xi32>
    %select_n3A_23 = arith.select %and3A, %add3A_22, %rem3A_12 : vector<800x40xi1>, vector<800x40xi32>
    %convert_element_type3A_24 = arith.sitofp %select_n3A_23 : vector<800x40xi32> to vector<800x40xf32>
    %eq3A_25 = arith.cmpf oeq, %dot_general3A_9, %convert_element_type3A_24 : vector<800x40xf32>
    %convert_element_type3A_26 = arith.extui %eq3A_25 : vector<800x40xi1> to vector<800x40xi32>
    %convert_element_type3A_27 = arith.sitofp %convert_element_type3A_26 : vector<800x40xi32> to vector<800x40xf32>
    %get3A_28 = arith.constant 0 : index
    %get3A_29 = arith.constant 0 : index
    %get3A_30 = vector.load %arg5[%get3A_28, %get3A_29] : memref<128x128xf32, #tpu.memory_space<vmem>>, vector<128x128xf32>
    %dot_general3A_31 = arith.constant dense<0.000000e+00> : vector<800x128xf32>
    %dot_general3A_32 = tpu.matmul %get3A_1, %get3A_30, %dot_general3A_31 {dimension_numbers = #tpu.dot_dimension_numbers<[1], [0], [0], [1], [0, 0, 1, 1], [], []>, transpose_lhs_hint = false} : vector<800x128xf32>, vector<128x128xf32>, vector<800x128xf32> -> vector<800x128xf32>
    %get3A_33 = arith.constant 0 : index
    %get3A_34 = arith.constant 0 : index
    %get3A_35 = vector.load %arg4[%get3A_33, %get3A_34] : memref<40x128xf32, #tpu.memory_space<vmem>>, vector<40x128xf32>
    %dot_general3A_36 = arith.constant dense<0.000000e+00> : vector<800x128xf32>
    %dot_general3A_37 = tpu.matmul %convert_element_type3A_27, %get3A_35, %dot_general3A_36 {dimension_numbers = #tpu.dot_dimension_numbers<[1], [0], [0], [1], [0, 0, 1, 1], [], []>, transpose_lhs_hint = false} : vector<800x40xf32>, vector<40x128xf32>, vector<800x128xf32> -> vector<800x128xf32>
    %add3A_38 = arith.addf %dot_general3A_32, %dot_general3A_37 : vector<800x128xf32>
    %max3A = arith.constant 0.000000e+00 : f32
    %max3A_39 = vector.broadcast %max3A : f32 to vector<800x128xf32>
    %max3A_40 = arith.maximumf %add3A_38, %max3A_39 : vector<800x128xf32>
    %get3A_41 = arith.constant 0 : index
    %get3A_42 = arith.constant 0 : index
    %get3A_43 = vector.load %arg6[%get3A_41, %get3A_42] : memref<128x128xf32, #tpu.memory_space<vmem>>, vector<128x128xf32>
    %dot_general3A_44 = arith.constant dense<0.000000e+00> : vector<800x128xf32>
    %dot_general3A_45 = tpu.matmul %max3A_40, %get3A_43, %dot_general3A_44 {dimension_numbers = #tpu.dot_dimension_numbers<[1], [0], [0], [1], [0, 0, 1, 1], [], []>, transpose_lhs_hint = false} : vector<800x128xf32>, vector<128x128xf32>, vector<800x128xf32> -> vector<800x128xf32>
    %get3A_46 = arith.constant 0 : index
    %get3A_47 = arith.constant 0 : index
    %get3A_48 = vector.load %arg7[%get3A_46, %get3A_47] : memref<1x128xf32, #tpu.memory_space<vmem>>, vector<1x128xf32>
    %add3A_49 = vector.broadcast %get3A_48 : vector<1x128xf32> to vector<800x128xf32>
    %add3A_50 = arith.addf %dot_general3A_45, %add3A_49 : vector<800x128xf32>
    %max3A_51 = arith.constant 0.000000e+00 : f32
    %max3A_52 = vector.broadcast %max3A_51 : f32 to vector<800x128xf32>
    %max3A_53 = arith.maximumf %add3A_50, %max3A_52 : vector<800x128xf32>
    %iota3A_54 = tpu.iota {dimensions = array<i32: 0>} : vector<800x16xi32>
    %jit3A_55 = arith.constant 50 : i32
    %div3A = vector.broadcast %jit3A_55 : i32 to vector<800x16xi32>
    %div3A_56 = arith.divsi %iota3A_54, %div3A : vector<800x16xi32>
    %sign3A = arith.constant 0 : i32
    %sign3A_57 = vector.broadcast %sign3A : i32 to vector<800x16xi32>
    %sign3A_58 = arith.cmpi sgt, %iota3A_54, %sign3A_57 : vector<800x16xi32>
    %sign3A_59 = arith.extui %sign3A_58 : vector<800x16xi1> to vector<800x16xi32>
    %sign3A_60 = arith.constant 0 : i32
    %sign3A_61 = vector.broadcast %sign3A_60 : i32 to vector<800x16xi32>
    %sign3A_62 = arith.cmpi slt, %iota3A_54, %sign3A_61 : vector<800x16xi32>
    %sign3A_63 = arith.extui %sign3A_62 : vector<800x16xi1> to vector<800x16xi32>
    %sign3A_64 = arith.subi %sign3A_59, %sign3A_63 : vector<800x16xi32>
    %sign3A_65 = arith.constant 0 : i32
    %sign3A_66 = arith.cmpi sgt, %jit3A_55, %sign3A_65 : i32
    %sign3A_67 = arith.extui %sign3A_66 : i1 to i32
    %sign3A_68 = arith.constant 0 : i32
    %sign3A_69 = arith.cmpi slt, %jit3A_55, %sign3A_68 : i32
    %sign3A_70 = arith.extui %sign3A_69 : i1 to i32
    %sign3A_71 = arith.subi %sign3A_67, %sign3A_70 : i32
    %ne3A_72 = vector.broadcast %sign3A_71 : i32 to vector<800x16xi32>
    %ne3A_73 = arith.cmpi ne, %sign3A_64, %ne3A_72 : vector<800x16xi32>
    %rem3A_74 = vector.broadcast %jit3A_55 : i32 to vector<800x16xi32>
    %rem3A_75 = arith.remsi %iota3A_54, %rem3A_74 : vector<800x16xi32>
    %ne3A_76 = arith.constant 0 : i32
    %ne3A_77 = vector.broadcast %ne3A_76 : i32 to vector<800x16xi32>
    %ne3A_78 = arith.cmpi ne, %rem3A_75, %ne3A_77 : vector<800x16xi32>
    %and3A_79 = arith.andi %ne3A_73, %ne3A_78 : vector<800x16xi1>
    %sub3A = arith.constant 1 : i32
    %sub3A_80 = vector.broadcast %sub3A : i32 to vector<800x16xi32>
    %sub3A_81 = arith.subi %div3A_56, %sub3A_80 : vector<800x16xi32>
    %select_n3A_82 = arith.select %and3A_79, %sub3A_81, %div3A_56 : vector<800x16xi1>, vector<800x16xi32>
    %iota3A_83 = tpu.iota {dimensions = array<i32: 1>} : vector<800x16xi32>
    %eq3A_84 = arith.cmpi eq, %select_n3A_82, %iota3A_83 : vector<800x16xi32>
    %convert_element_type3A_85 = arith.extui %eq3A_84 : vector<800x16xi1> to vector<800x16xi32>
    %convert_element_type3A_86 = arith.sitofp %convert_element_type3A_85 : vector<800x16xi32> to vector<800x16xf32>
    %iota3A_87 = tpu.iota {dimensions = array<i32: 0>} : vector<16x800xi32>
    %iota3A_88 = tpu.iota {dimensions = array<i32: 1>} : vector<16x800xi32>
    %jit3A_89 = arith.constant 50 : i32
    %div3A_90 = vector.broadcast %jit3A_89 : i32 to vector<16x800xi32>
    %div3A_91 = arith.divsi %iota3A_88, %div3A_90 : vector<16x800xi32>
    %sign3A_92 = arith.constant 0 : i32
    %sign3A_93 = vector.broadcast %sign3A_92 : i32 to vector<16x800xi32>
    %sign3A_94 = arith.cmpi sgt, %iota3A_88, %sign3A_93 : vector<16x800xi32>
    %sign3A_95 = arith.extui %sign3A_94 : vector<16x800xi1> to vector<16x800xi32>
    %sign3A_96 = arith.constant 0 : i32
    %sign3A_97 = vector.broadcast %sign3A_96 : i32 to vector<16x800xi32>
    %sign3A_98 = arith.cmpi slt, %iota3A_88, %sign3A_97 : vector<16x800xi32>
    %sign3A_99 = arith.extui %sign3A_98 : vector<16x800xi1> to vector<16x800xi32>
    %sign3A_100 = arith.subi %sign3A_95, %sign3A_99 : vector<16x800xi32>
    %sign3A_101 = arith.constant 0 : i32
    %sign3A_102 = arith.cmpi sgt, %jit3A_89, %sign3A_101 : i32
    %sign3A_103 = arith.extui %sign3A_102 : i1 to i32
    %sign3A_104 = arith.constant 0 : i32
    %sign3A_105 = arith.cmpi slt, %jit3A_89, %sign3A_104 : i32
    %sign3A_106 = arith.extui %sign3A_105 : i1 to i32
    %sign3A_107 = arith.subi %sign3A_103, %sign3A_106 : i32
    %ne3A_108 = vector.broadcast %sign3A_107 : i32 to vector<16x800xi32>
    %ne3A_109 = arith.cmpi ne, %sign3A_100, %ne3A_108 : vector<16x800xi32>
    %rem3A_110 = vector.broadcast %jit3A_89 : i32 to vector<16x800xi32>
    %rem3A_111 = arith.remsi %iota3A_88, %rem3A_110 : vector<16x800xi32>
    %ne3A_112 = arith.constant 0 : i32
    %ne3A_113 = vector.broadcast %ne3A_112 : i32 to vector<16x800xi32>
    %ne3A_114 = arith.cmpi ne, %rem3A_111, %ne3A_113 : vector<16x800xi32>
    %and3A_115 = arith.andi %ne3A_109, %ne3A_114 : vector<16x800xi1>
    %sub3A_116 = arith.constant 1 : i32
    %sub3A_117 = vector.broadcast %sub3A_116 : i32 to vector<16x800xi32>
    %sub3A_118 = arith.subi %div3A_91, %sub3A_117 : vector<16x800xi32>
    %select_n3A_119 = arith.select %and3A_115, %sub3A_118, %div3A_91 : vector<16x800xi1>, vector<16x800xi32>
    %eq3A_120 = arith.cmpi eq, %iota3A_87, %select_n3A_119 : vector<16x800xi32>
    %convert_element_type3A_121 = arith.extui %eq3A_120 : vector<16x800xi1> to vector<16x800xi32>
    %convert_element_type3A_122 = arith.sitofp %convert_element_type3A_121 : vector<16x800xi32> to vector<16x800xf32>
    %get3A_123 = arith.constant 0 : index
    %get3A_124 = arith.constant 0 : index
    %get3A_125 = vector.load %arg3[%get3A_123, %get3A_124] : memref<16x128xf32, #tpu.memory_space<vmem>>, vector<16x128xf32>
    %get3A_126 = arith.constant 0 : index
    %get3A_127 = arith.constant 0 : index
    %get3A_128 = vector.load %arg9[%get3A_126, %get3A_127] : memref<128x128xf32, #tpu.memory_space<vmem>>, vector<128x128xf32>
    %dot_general3A_129 = arith.constant dense<0.000000e+00> : vector<16x128xf32>
    %dot_general3A_130 = tpu.matmul %get3A_125, %get3A_128, %dot_general3A_129 {dimension_numbers = #tpu.dot_dimension_numbers<[1], [0], [0], [1], [0, 0, 1, 1], [], []>, transpose_lhs_hint = false} : vector<16x128xf32>, vector<128x128xf32>, vector<16x128xf32> -> vector<16x128xf32>
    %get3A_131 = arith.constant 0 : index
    %get3A_132 = arith.constant 0 : index
    %get3A_133 = vector.load %arg10[%get3A_131, %get3A_132] : memref<1x128xf32, #tpu.memory_space<vmem>>, vector<1x128xf32>
    %add3A_134 = vector.broadcast %get3A_133 : vector<1x128xf32> to vector<16x128xf32>
    %add3A_135 = arith.addf %dot_general3A_130, %add3A_134 : vector<16x128xf32>
    %dot_general3A_136 = arith.constant dense<0.000000e+00> : vector<800x128xf32>
    %dot_general3A_137 = tpu.matmul %convert_element_type3A_86, %add3A_135, %dot_general3A_136 {dimension_numbers = #tpu.dot_dimension_numbers<[1], [0], [0], [1], [0, 0, 1, 1], [], []>, transpose_lhs_hint = false} : vector<800x16xf32>, vector<16x128xf32>, vector<800x128xf32> -> vector<800x128xf32>
    %get3A_138 = arith.constant 0 : index
    %get3A_139 = arith.constant 0 : index
    %get3A_140 = vector.load %arg8[%get3A_138, %get3A_139] : memref<128x128xf32, #tpu.memory_space<vmem>>, vector<128x128xf32>
    %dot_general3A_141 = arith.constant dense<0.000000e+00> : vector<800x128xf32>
    %dot_general3A_142 = tpu.matmul %max3A_53, %get3A_140, %dot_general3A_141 {dimension_numbers = #tpu.dot_dimension_numbers<[1], [0], [0], [1], [0, 0, 1, 1], [], []>, transpose_lhs_hint = false} : vector<800x128xf32>, vector<128x128xf32>, vector<800x128xf32> -> vector<800x128xf32>
    %add3A_143 = arith.addf %dot_general3A_142, %dot_general3A_137 : vector<800x128xf32>
    %max3A_144 = arith.constant 0.000000e+00 : f32
    %max3A_145 = vector.broadcast %max3A_144 : f32 to vector<800x128xf32>
    %max3A_146 = arith.maximumf %add3A_143, %max3A_145 : vector<800x128xf32>
    %get3A_147 = arith.constant 0 : index
    %get3A_148 = arith.constant 0 : index
    %get3A_149 = vector.load %arg11[%get3A_147, %get3A_148] : memref<128x128xf32, #tpu.memory_space<vmem>>, vector<128x128xf32>
    %dot_general3A_150 = arith.constant dense<0.000000e+00> : vector<800x128xf32>
    %dot_general3A_151 = tpu.matmul %max3A_146, %get3A_149, %dot_general3A_150 {dimension_numbers = #tpu.dot_dimension_numbers<[1], [0], [0], [1], [0, 0, 1, 1], [], []>, transpose_lhs_hint = false} : vector<800x128xf32>, vector<128x128xf32>, vector<800x128xf32> -> vector<800x128xf32>
    %get3A_152 = arith.constant 0 : index
    %get3A_153 = arith.constant 0 : index
    %get3A_154 = vector.load %arg12[%get3A_152, %get3A_153] : memref<1x128xf32, #tpu.memory_space<vmem>>, vector<1x128xf32>
    %add3A_155 = vector.broadcast %get3A_154 : vector<1x128xf32> to vector<800x128xf32>
    %add3A_156 = arith.addf %dot_general3A_151, %add3A_155 : vector<800x128xf32>
    %max3A_157 = arith.constant 0.000000e+00 : f32
    %max3A_158 = vector.broadcast %max3A_157 : f32 to vector<800x128xf32>
    %max3A_159 = arith.maximumf %add3A_156, %max3A_158 : vector<800x128xf32>
    %get3A_160 = arith.constant 0 : index
    %get3A_161 = arith.constant 0 : index
    %get3A_162 = vector.load %arg13[%get3A_160, %get3A_161] : memref<128x8xf32, #tpu.memory_space<vmem>>, vector<128x8xf32>
    %dot_general3A_163 = arith.constant dense<0.000000e+00> : vector<800x8xf32>
    %dot_general3A_164 = tpu.matmul %max3A_159, %get3A_162, %dot_general3A_163 {dimension_numbers = #tpu.dot_dimension_numbers<[1], [0], [0], [1], [0, 0, 1, 1], [], []>, transpose_lhs_hint = false} : vector<800x128xf32>, vector<128x8xf32>, vector<800x8xf32> -> vector<800x8xf32>
    %exp3A = math.exp %dot_general3A_164 : vector<800x8xf32>
    %dot_general3A_165 = arith.constant dense<0.000000e+00> : vector<16x8xf32>
    %dot_general3A_166 = tpu.matmul %convert_element_type3A_122, %exp3A, %dot_general3A_165 {dimension_numbers = #tpu.dot_dimension_numbers<[1], [0], [0], [1], [0, 0, 1, 1], [], []>, transpose_lhs_hint = false} : vector<16x800xf32>, vector<800x8xf32>, vector<16x8xf32> -> vector<16x8xf32>
    %div3A_167 = arith.constant 1.000000e+00 : f32
    %div3A_168 = vector.broadcast %div3A_167 : f32 to vector<16x8xf32>
    %div3A_169 = arith.divf %div3A_168, %dot_general3A_166 : vector<16x8xf32>
    %dot_general3A_170 = arith.constant dense<0.000000e+00> : vector<800x8xf32>
    %dot_general3A_171 = tpu.matmul %convert_element_type3A_86, %div3A_169, %dot_general3A_170 {dimension_numbers = #tpu.dot_dimension_numbers<[1], [0], [0], [1], [0, 0, 1, 1], [], []>, transpose_lhs_hint = false} : vector<800x16xf32>, vector<16x8xf32>, vector<800x8xf32> -> vector<800x8xf32>
    %mul3A = arith.mulf %exp3A, %dot_general3A_171 : vector<800x8xf32>
    %get3A_172 = arith.constant 0 : index
    %get3A_173 = arith.constant 0 : index
    %get3A_174 = vector.load %arg14[%get3A_172, %get3A_173] : memref<8x128xf32, #tpu.memory_space<vmem>>, vector<8x128xf32>
    %dot_general3A_175 = arith.constant dense<0.000000e+00> : vector<800x128xf32>
    %dot_general3A_176 = tpu.matmul %mul3A, %get3A_174, %dot_general3A_175 {dimension_numbers = #tpu.dot_dimension_numbers<[1], [0], [0], [1], [0, 0, 1, 1], [], []>, transpose_lhs_hint = false} : vector<800x8xf32>, vector<8x128xf32>, vector<800x128xf32> -> vector<800x128xf32>
    %mul3A_177 = arith.mulf %max3A_53, %dot_general3A_176 : vector<800x128xf32>
    %dot_general3A_178 = arith.constant dense<0.000000e+00> : vector<16x128xf32>
    %dot_general3A_179 = tpu.matmul %convert_element_type3A_122, %mul3A_177, %dot_general3A_178 {dimension_numbers = #tpu.dot_dimension_numbers<[1], [0], [0], [1], [0, 0, 1, 1], [], []>, transpose_lhs_hint = false} : vector<16x800xf32>, vector<800x128xf32>, vector<16x128xf32> -> vector<16x128xf32>
    %swap3A = arith.constant 0 : index
    %swap3A_180 = arith.constant 0 : index
    %swap3A_181 = vector.load %arg16[%swap3A, %swap3A_180] : memref<16x128xf32, #tpu.memory_space<vmem>>, vector<16x128xf32>
    tpu.vector_store %arg16[%swap3A, %swap3A_180], %dot_general3A_179 {strides = array<i32>} : memref<16x128xf32, #tpu.memory_space<vmem>>, vector<16x128xf32>,
    return
  }
  func.func @transform_0(%arg0: i32) -> (i32, i32) {
    %c0_i32 = arith.constant 0 : i32
    %c0_i32_0 = arith.constant 0 : i32
    return %arg0, %c0_i32 : i32, i32
  }
  func.func @transform_1(%arg0: i32) -> (i32, i32, i32) {
    %c0_i32 = arith.constant 0 : i32
    %c0_i32_0 = arith.constant 0 : i32
    %c0_i32_1 = arith.constant 0 : i32
    return %arg0, %c0_i32, %c0_i32_0 : i32, i32, i32
  }
  func.func @transform_2(%arg0: i32) -> (i32, i32) {
    %c0_i32 = arith.constant 0 : i32
    %c0_i32_0 = arith.constant 0 : i32
    return %arg0, %c0_i32 : i32, i32
  }
  func.func @transform_3(%arg0: i32) -> (i32, i32) {
    %c0_i32 = arith.constant 0 : i32
    %c0_i32_0 = arith.constant 0 : i32
    %c0_i32_1 = arith.constant 0 : i32
    return %c0_i32, %c0_i32_0 : i32, i32
  }
  func.func @transform_4(%arg0: i32) -> (i32, i32) {
    %c0_i32 = arith.constant 0 : i32
    %c0_i32_0 = arith.constant 0 : i32
    %c0_i32_1 = arith.constant 0 : i32
    return %c0_i32, %c0_i32_0 : i32, i32
  }
  func.func @transform_5(%arg0: i32) -> (i32, i32) {
    %c0_i32 = arith.constant 0 : i32
    %c0_i32_0 = arith.constant 0 : i32
    %c0_i32_1 = arith.constant 0 : i32
    return %c0_i32, %c0_i32_0 : i32, i32
  }
  func.func @transform_6(%arg0: i32) -> (i32, i32) {
    %c0_i32 = arith.constant 0 : i32
    %c0_i32_0 = arith.constant 0 : i32
    %c0_i32_1 = arith.constant 0 : i32
    return %c0_i32, %c0_i32_0 : i32, i32
  }
  func.func @transform_7(%arg0: i32) -> (i32, i32) {
    %c0_i32 = arith.constant 0 : i32
    %c0_i32_0 = arith.constant 0 : i32
    %c0_i32_1 = arith.constant 0 : i32
    return %c0_i32, %c0_i32_0 : i32, i32
  }
  func.func @transform_8(%arg0: i32) -> (i32, i32) {
    %c0_i32 = arith.constant 0 : i32
    %c0_i32_0 = arith.constant 0 : i32
    %c0_i32_1 = arith.constant 0 : i32
    return %c0_i32, %c0_i32_0 : i32, i32
  }
  func.func @transform_9(%arg0: i32) -> (i32, i32) {
    %c0_i32 = arith.constant 0 : i32
    %c0_i32_0 = arith.constant 0 : i32
    %c0_i32_1 = arith.constant 0 : i32
    return %c0_i32, %c0_i32_0 : i32, i32
  }
  func.func @transform_10(%arg0: i32) -> (i32, i32) {
    %c0_i32 = arith.constant 0 : i32
    %c0_i32_0 = arith.constant 0 : i32
    %c0_i32_1 = arith.constant 0 : i32
    return %c0_i32, %c0_i32_0 : i32, i32
  }
  func.func @transform_11(%arg0: i32) -> (i32, i32) {
    %c0_i32 = arith.constant 0 : i32
    %c0_i32_0 = arith.constant 0 : i32
    %c0_i32_1 = arith.constant 0 : i32
    return %c0_i32, %c0_i32_0 : i32, i32
  }
  func.func @transform_12(%arg0: i32) -> (i32, i32) {
    %c0_i32 = arith.constant 0 : i32
    %c0_i32_0 = arith.constant 0 : i32
    %c0_i32_1 = arith.constant 0 : i32
    return %c0_i32, %c0_i32_0 : i32, i32
  }
  func.func @transform_13(%arg0: i32) -> (i32, i32) {
    %c0_i32 = arith.constant 0 : i32
    %c0_i32_0 = arith.constant 0 : i32
    %c0_i32_1 = arith.constant 0 : i32
    return %c0_i32, %c0_i32_0 : i32, i32
  }
  func.func @transform_14(%arg0: i32) -> (i32, i32) {
    %c0_i32 = arith.constant 0 : i32
    %c0_i32_0 = arith.constant 0 : i32
    %c0_i32_1 = arith.constant 0 : i32
    return %c0_i32, %c0_i32_0 : i32, i32
  }
  func.func @transform_15(%arg0: i32) -> (i32, i32) {
    %c0_i32 = arith.constant 0 : i32
    %c0_i32_0 = arith.constant 0 : i32
    return %arg0, %c0_i32 : i32, i32
  }
}

</mosaic_0001>

<sc_bundles>
// kernel: kernel.6.cloned.1.call-start
scs
__scs_entry_jumppad:
0x0: {  	(pc) =	sbr.rel $0x88, $3  }
0x1: {  	(tag) =	ssettag $0x0;
	lr =	simm.s32 $0x1  }
0x2: {  	[smem:$0x3F92] =	sst lr;
	_ =	strace $0xD0000000  }
0x3: {  	_ = 	snop  }
0x4: {  	_ = 	snop  }
0x5: {  	_ = 	snop  }
0x6: {  	_ = 	snop  }
0x7: {  	_ = 	snop  }
__scs_overlays_trampoline_lowered:
0x8: {  	[smem:$0x3FA1] =	sst s0  }
0x9: {  	[smem:$0x3FA2] =	sst s1  }
0xa: {  	[smem:$0x3FA3] =	sst s2  }
0xb: {  	[smem:$0x3FA4] =	sst s3  }
0xc: {  	[smem:$0x3FA5] =	sst s4  }
0xd: {  	[smem:$0x3FA6] =	sst s5  }
0xe: {  	[smem:$0x3FA7] =	sst s6  }
0xf: {  	[smem:$0x3FA8] =	sst s7  }
0x10: {  	[smem:$0x3FA9] =	sst s8  }
0x11: {  	[smem:$0x3FAA] =	sst s9;
	s0 =	simm.s32 @!p0 $0x0  }
0x12: {  	s1 =	sld [smem:$0x3F90];
	s0 =	simm.s32 @p0 $0x1  }
0x13: {  	[smem:$0x3FAB] =	sst s0;
	s0 =	simm.s32 @!p1 $0x0  }
0x14: {  	s2 =	sld [smem:$0x3F8F];
	s0 =	simm.s32 @p1 $0x1  }
0x15: {  	[smem:$0x3FAC] =	sst s0;
	s0 =	simm.s32 @!p2 $0x0  }
0x16: {  	s3 =	sld [smem:$0x3FDB];
	s0 =	simm.s32 @p2 $0x1  }
0x17: {  	s4 =	simm.s32 $0x1BF5;
	[smem:$0x3FAE] =	sst s0  }
0x18: {  	s0 =	sld [smem:$0x3F91];
	_ =	swait.ge [sflag:s4], $0x0  }
0x19: {  	s7 =	sld [smem:$0x3F92]  }
0x1a: {  	s8 =	sadd.s32 $0xFFFFE003, lr  }
0x1b: {  	s9 =	sadd.s32 $0xFFFFFEF7, lr;
	s5 =	simm.s32 $0xFFFFFFFF;
	p2 =	slt.u32 s8, $0xFFFFF086  }
0x1c: {  	p1 =	slt.u32 s9, $0xF7A;
	s5 =	simm.s32 @!p2 $0x0  }
0x1d: {  	s5 =	simm.s32 @p1 $0x1;
	p0 =	seq.s32 s7, s2  }
0x1e: {  	s7 =	smul.u32 @!p0 $0xF7A, s2;
	p2 =	seq.s32 @!p0 s5, $0x0  }
0x1f: {  	s9 =	smul.u32 $0xF7A, s1;
	s8 =	simm.s32 @!p0 $0x1BF5;
	p2 =	por !p2, p0  }
0x20: {  	[sflag:s8] =	ssyncset.s32 @!p0 $0xFFFFF086;
	s6 =	sadd.s32 @!p0 s3, s7;
	s7 =	simm.s32 @!p0 $0x108  }
0x21: {  	s3 =	sadd.s32 s3, s9;
	s6 =	sadd.s32 @!p0 $0x88, s6;
	s7 =	simm.s32 @p2 $0x1082  }
0x22: {  	[simem:s7], [sflag:s8] =	dma.local @!p0 [hbm:s6], $0xF7A  }
0x23: {  	s9 =	sor.u32 $0xD0000000, s2;
	s6 =	simm.s32 $0x108;
	_ =	swait.ge @!p0 [sflag:s8], $0x0  }
0x24: {  	s3 =	sadd.s32 $0x88, s3;
	s6 =	simm.s32 @!p1 $0x1082;
	[sflag:s4] =	ssyncset.s32 $0xFFFFF086  }
0x25: {  	[simem:s6], [sflag:s4] =	dma.local [hbm:s3], $0xF7A  }
0x26: {  	[smem:$0x3F92] =	sst s1;
	(tag) =	ssettag s2;
	_ =	strace s9  }
0x27: {  	s1 =	sld [smem:$0x3FA2]  }
0x28: {  	s2 =	sld [smem:$0x3FA3]  }
0x29: {  	s4 =	sld [smem:$0x3FA5]  }
0x2a: {  	p0 =	seq.s32 s5, $0x0;
	s5 =	sld [smem:$0x3FA6]  }
0x2b: {  	s6 =	sld [smem:$0x3FA7]  }
0x2c: {  	s7 =	sld [smem:$0x3FA8]  }
0x2d: {  	s3 =	simm.s32 $0x108;
	s8 =	sld [smem:$0x3FA9]  }
0x2e: {  	s3 =	simm.s32 @!p0 $0x1082;
	s9 =	sld [smem:$0x3FAA]  }
0x2f: {  	lr =	sadd.s32 s0, s3;
	s0 =	sld [smem:$0x3FA1]  }
0x30: {  	s3 =	sld [smem:$0x3FA4]  }
0x31: {  	[smem:$0x3FAD] =	sst s10  }
0x32: {  	s10 =	sld [smem:$0x3FAB];
	_ =	sdelay $0x3  }
0x33: {  	p0 =	seq.s32 s10, $0x1;
	s10 =	sld [smem:$0x3FAD];
	_ =	sdelay $0x3  }
0x34: {  	[smem:$0x3FAD] =	sst s10  }
0x35: {  	s10 =	sld [smem:$0x3FAC];
	_ =	sdelay $0x3  }
0x36: {  	p1 =	seq.s32 s10, $0x1;
	s10 =	sld [smem:$0x3FAD];
	_ =	sdelay $0x3  }
0x37: {  	[smem:$0x3FAD] =	sst s10  }
0x38: {  	s10 =	sld [smem:$0x3FAE]  }
0x39: {  	_ = 	snop;
	(pc) =	sbr.ind lr, $3  }
0x3a: {  	_ = 	snop  }
0x3b: {  	_ = 	snop  }
0x3c: {  	p2 =	seq.s32 s10, $0x1;
	s10 =	sld [smem:$0x3FAD]  }
0x3d: {  	_ =	shalt  }
0x3e: {  	_ =	shalt  }
0x3f: {  	_ =	shalt  }
0x40: {  	_ =	shalt  }
0x41: {  	_ =	shalt  }
0x42: {  	_ =	shalt  }
0x43: {  	_ =	shalt  }
0x44: {  	_ =	shalt  }
0x45: {  	_ =	shalt  }
0x46: {  	_ =	shalt  }
0x47: {  	_ =	shalt  }
0x48: {  	_ =	shalt  }
0x49: {  	_ =	shalt  }
0x4a: {  	_ =	shalt  }
0x4b: {  	_ =	shalt  }
0x4c: {  	_ =	shalt  }
0x4d: {  	_ =	shalt  }
0x4e: {  	_ =	shalt  }
0x4f: {  	_ =	shalt  }
0x50: {  	_ =	shalt  }
0x51: {  	_ =	shalt  }
0x52: {  	_ =	shalt  }
0x53: {  	_ =	shalt  }
0x54: {  	_ =	shalt  }
0x55: {  	_ =	shalt  }
0x56: {  	_ =	shalt  }
0x57: {  	_ =	shalt  }
0x58: {  	_ =	shalt  }
0x59: {  	_ =	shalt  }
0x5a: {  	_ =	shalt  }
0x5b: {  	_ =	shalt  }
0x5c: {  	_ =	shalt  }
0x5d: {  	_ =	shalt  }
0x5e: {  	_ =	shalt  }
0x5f: {  	_ =	shalt  }
0x60: {  	_ =	shalt  }
0x61: {  	_ =	shalt  }
0x62: {  	_ =	shalt  }
0x63: {  	_ =	shalt  }
0x64: {  	_ =	shalt  }
0x65: {  	_ =	shalt  }
0x66: {  	_ =	shalt  }
0x67: {  	_ =	shalt  }
0x68: {  	_ =	shalt  }
0x69: {  	_ =	shalt  }
0x6a: {  	_ =	shalt  }
0x6b: {  	_ =	shalt  }
0x6c: {  	_ =	shalt  }
0x6d: {  	_ =	shalt  }
0x6e: {  	_ =	shalt  }
0x6f: {  	_ =	shalt  }
0x70: {  	_ =	shalt  }
0x71: {  	_ =	shalt  }
0x72: {  	_ =	shalt  }
0x73: {  	_ =	shalt  }
0x74: {  	_ =	shalt  }
0x75: {  	_ =	shalt  }
0x76: {  	_ =	shalt  }
0x77: {  	_ =	shalt  }
0x78: {  	_ =	shalt  }
0x79: {  	_ =	shalt  }
0x7a: {  	_ =	shalt  }
0x7b: {  	_ =	shalt  }
0x7c: {  	_ =	shalt  }
0x7d: {  	_ =	shalt  }
0x7e: {  	_ =	shalt  }
0x7f: {  	_ =	shalt  }
0x80: {  	_ =	shalt  }
0x81: {  	_ =	shalt  }
0x82: {  	_ =	shalt  }
0x83: {  	_ =	shalt  }
0x84: {  	_ =	shalt  }
0x85: {  	_ =	shalt  }
0x86: {  	_ =	shalt  }
0x87: {  	_ =	shalt  }
.Lfunc_end0:
.L_simem_size_0:
called_computation_lowered:
.L_overlay_start_0:
0x88: {  	s2 =	sld [smem:$0x3FD9]  }
0x89: {  	s3 =	sld [smem:$0x3FFE];
	_ =	sdelay $0x1  }
0x8a: {  	s1 =	srdreg.scid  }
0x8b: {  	s0 =	sand.u32 $0x1, s1  }
0x8c: {  	s17 =	sshll.u32 s0, $0xA;
	s2 =	sadd.s32 s3, s2  }
0x8d: {  	s2 =	sadd.s32 s2, s17  }
0x8e: {  	[smem:$0x3FB9] =	sst s2  }
0x8f: {  	_ = 	snop  }
0x90: {  	s2 =	sld [smem:$0x3FD0];
	(tm) =	ssettm $0x1  }
0x91: {  	s18 =	sld [smem:$0x3FFB];
	_ =	sdelay $0x3  }
0x92: {  	_ =	strace s18  }
0x93: {  	s3 =	sld [smem:$0x3FFC];
	_ =	sdelay $0x3  }
0x94: {  	_ =	strace s3  }
0x95: {  	s3 =	sld [smem:$0x3FFD];
	_ =	sdelay $0x3  }
0x96: {  	_ =	strace s3  }
0x97: {  	_ =	strace $0x8FFFFFFF  }
0x98: {  	s19 =	sld [smem:$0x3FDB];
	_ =	sdelay $0x1  }
0x99: {  	s4 =	simm.s32 $_scs_section_size  }
0x9a: {  	s5 =	simm.s32 $_size__tile_overlayer_lowered;
	s6 =	simm.s32 $_tile_overlayer_lowered  }
0x9b: {  	s22 =	simm.s32 $0x1BFF;
	s21 =	sshll.u32 s6, $0x1;
	s3 =	sadd.s32 s4, s19  }
0x9c: {  	s7 =	simm.s32 $0x0;
	s20 =	sshll.u32 s5, $0x1;
	s5 =	sadd.s32 s21, s3  }
0x9d: {  	[timem:s7], [sflag:s22] =	dma.local [hbm:s5], s20  }
0x9e: {  	_ =	swait.ge [sflag:s22], s20  }
0x9f: {  	s4 =	ssub.s32 $0x0, s20;
	[sflag:s22] =	ssyncset.done $0x0  }
0xa0: {  	[sflag:s22] =	ssyncadd.s32 s4;
	_ =	sdelay $0x1  }
0xa1: {  	s23 =	simm.s32 $0x1B8B  }
0xa2: {  	_ =	swait.ge [sflag:s23], $0x1  }
0xa3: {  	[sflag:s23] =	ssyncset.done $0x0  }
0xa4: {  	s25 =	simm.s32 $0x1B8E;
	s24 =	sld [smem:$0x3FFE];
	[sflag:s23] =	ssyncadd.s32 $0xFFFFFFFF  }
0xa5: {  	s26 =	simm.s32 $execute0_lowered;
	[smem:$0x3FD2] =	sst s25  }
0xa6: {  	s5 =	sshll.u32 s26, $0x1;
	_ =	strace $0x80000046;
	[dreg:$0x1] =	wrdreg $0xFFFFFFFF  }
0xa7: {  	s28 =	simm.s32 $_size_execute0_lowered;
	s3 =	sadd.s32 s3, s5;
	[dreg:$0x0] =	wrdreg $0x0  }
0xa8: {  	s5 =	sshll.u32 s28, $0x1;
	[dreg:$0x2] =	wrdreg s3  }
0xa9: {  	[dreg:$0x3] =	wrdreg s5  }
0xaa: {  	[dreg:$0x4] =	wrdreg $0xC0  }
0xab: {  	_ =	task [dreg:s7], $0x5FFFF  }
0xac: {  	[dreg:$0x1] =	wrdreg $0xFFFFFFFF  }
0xad: {  	[dreg:$0x0] =	wrdreg $0x60  }
0xae: {  	[dreg:$0x2] =	wrdreg s24  }
0xaf: {  	[dreg:$0x3] =	wrdreg s2  }
0xb0: {  	[dreg:$0x4] =	wrdreg $0x9  }
0xb1: {  	_ =	task.clear_ibuf [dreg:s7], $0x5FFFF;
	_ =	strace $0x90000046  }
0xb2: {  	s29 =	simm.s32 $0x9;
	_ =	strace $0x80000048  }
0xb3: {  	_ =	swait.ge [sflag:s29], $0x1  }
0xb4: {  	[sflag:s29] =	ssyncadd.s32 $0xFFFFFFFF  }
0xb5: {  	_ =	strace $0x90000048  }
0xb6: {  	_ =	sfence  }
0xb7: {  	s30 =	sld [smem:$0x0];
	_ =	sdelay $0x2  }
0xb8: {  	s31 =	sshll.u32 s1, $0xD;
	s1 =	sshrl.u32 s1, $0x2  }
0xb9: {  	s3 =	sand.u32 $0x4000, s31;
	s1 =	sadd.s32 s1, s30  }
0xba: {  	s0 =	sor.u32 s3, s0;
	s1 =	sshll.u32 s1, $0x11  }
0xbb: {  	s0 =	sor.u32 s1, s0  }
0xbc: {  	s0 =	sadd.s32 $0x8F2B, s0  }
0xbd: {  	[sflag:s0] =	ssyncadd.remote.s32 $0x1  }
0xbe: {  	_ =	sfence.sel $0xFFFF  }
0xbf: {  	[dreg:$0x0] =	wrdreg $0xFFFFFFFF;
	(pc) =	sbr.abs _section_cstart, $3  }
0xc0: {  	[dreg:$0x1] =	wrdreg $0xFFFFFFFF  }
0xc1: {  	_ =	task.clear_ibuf [dreg:s7], $0x2FFFF;
	_ =	strace $0x9FFFFFFF  }
0xc2: {  	(tm) =	ssettm $0x7FFFFFFF  }
0xc3: {  	_ =	shalt  }
tec
execute0_lowered:
.L_overlay_start_1:
0x0: {  	(tag) =	ssettag $0x1  }
0x1: {  	s5 =	rddreg [dreg:$0x0];
	s1 =	srdreg.scid  }
0x2: {  	s0 =	stileid.u32;
	s6 =	rddreg [dreg:$0x1]  }
0x3: {  	s2 =	simm.s32 $0x0;
	s14 =	simm.s32 $0x1;
	s15 =	simm.s32 $0xA00  }
0x4: {  	s7 =	sand.u32 $0x1, s1;
	s3 =	smul.u32 $0xC800, s0;
	s1 =	rddreg [dreg:$0x2]  }
0x5: {  	s16 =	simm.s32 $0x0;
	[smem:$0x7FF] =	sst s2;
	s11 =	smul.u32 $0x19000, s0  }
0x6: {  	s8 =	sshll.u32 s0, $0x1;
	s4 =	smul.u32 $0x6400, s7;
	_ =	strace $0x80000047  }
0x7: {  	s8 =	sor.u32 s7, s8;
	s12 =	ssub.s32 $0x2, s7;
	s13 =	smul.u32 $0xC800, s7  }
0x8: {  	s10 =	sshll.u32 s8, $0x6;
	s11 =	sadd.s32 s11, s5;
	s29 =	sshrl.u32 s12, $0x1  }
0x9: {  	s8 =	sshll.u32 s8, $0xA;
	s4 =	sadd.s32 s4, s3;
	s3 =	sadd.s32 $0x39C200, s5  }
0xa: {  	s10 =	sadd.s32 s10, s5;
	s30 =	ssub.s32 s12, s29;
	s6 =	sadd.s32 s6, s8  }
0xb: {  	s31 =	sadd.s32 s13, s11;
	s11 =	simm.s32 $0x2;
	s12 =	simm.s32 $0x200  }
0xc: {  	s13 =	simm.s32 $0xAC00;
	s4 =	sshrl.u32 s4, $0x3;
	s7 =	smax.u32 s30, $0x1  }
0xd: {  	s8 =	sadd.s32 $0x3200, s31;
	s9 =	sadd.s32 s4, s5;
	s4 =	sadd.s32 $0x588200, s5  }
0xe: {  	s5 =	sadd.s32 $0x2A00, s10;
	s10 =	simm.s32 $0xAA00;
	s9 =	sadd.s32 $0x383200, s9  }
.LBB2_1:
0xf: {  	[tilespmem:s10], [sflag:$0x2] =	stream.linear.gather [hbm4b:s5+s2], $0x200, $0x38;
	[tilespmem:$0xCC00] =	vst v63  }
0x10: {  	_ =	swait.ge [sflag:s11], $0x200  }
0x11: {  	[sflag:s11] =	ssyncset.done $0x0  }
0x12: {  	[sflag:s11] =	ssyncadd.s32 $0xFFFFFE00  }
0x13: {  	[tilespmem:s13], [sflag:$0x1] =	stream.indirect.gather [hbm4b:s4+s12], $0x10, s10, s12, $0xb8;
	[tilespmem:$0xCC00] =	vst v63  }
0x14: {  	_ =	swait.ge [sflag:s14], $0x2000  }
0x15: {  	[sflag:s14] =	ssyncset.done $0x0  }
0x16: {  	[sflag:s14] =	ssyncadd.s32 $0xFFFFE000  }
0x17: {  	[hbm4b:s6+s2] =	stream.linear.scatter [tilespmem:s13], [sflag:$0x2], $0x2000, $0x38;
	[tilespmem:$0xCC00] =	vst v63  }
0x18: {  	_ =	swait.ge [sflag:s11], $0x2000  }
0x19: {  	[sflag:s11] =	ssyncset.done $0x0  }
0x1a: {  	s17 =	sadd.s32 $0x0, s9;
	[sflag:s11] =	ssyncadd.s32 $0xFFFFE000  }
0x1b: {  	[tilespmem:s2], [sflag:$0x2] =	stream.linear.gather [hbm4b:s17+s2], $0xA00, $0x38;
	[tilespmem:$0xCC00] =	vst v63  }
0x1c: {  	_ =	swait.ge [sflag:s11], $0xA00  }
0x1d: {  	[sflag:s11] =	ssyncset.done $0x0  }
0x1e: {  	[sflag:s11] =	ssyncadd.s32 $0xFFFFF600  }
0x1f: {  	[tilespmem:s15], [sflag:$0x1] =	stream.indirect.gather [hbm4b:s3+s15], $0x10, s2, s15, $0xb8;
	[tilespmem:$0xCC00] =	vst v63  }
0x20: {  	_ =	swait.ge [sflag:s14], $0xA000  }
0x21: {  	[sflag:s14] =	ssyncset.done $0x0  }
0x22: {  	[sflag:s14] =	ssyncadd.s32 $0xFFFF6000  }
0x23: {  	[hbm4b:s8+s2] =	stream.linear.scatter [tilespmem:s15], [sflag:$0x2], $0xA000, $0x38;
	[tilespmem:$0xCC00] =	vst v63  }
0x24: {  	s18 =	simm.s32 $0x140;
	_ =	swait.ge [sflag:s11], $0xA000  }
0x25: {  	s19 =	simm.s32 $0x280;
	s17 =	sadd.s32 $0x1400, s8;
	[sflag:s11] =	ssyncset.done $0x0  }
.LBB2_2:
0x26: {  	s20 =	sadd.s32 s18, s9  }
0x27: {  	[sflag:s11] =	ssyncadd.s32 $0xFFFF6000;
	s18 =	smov.u32 s19;
	s21 =	sadd.s32 $0x140, s19  }
0x28: {  	[tilespmem:s2], [sflag:$0x2] =	stream.linear.gather [hbm4b:s20+s2], $0xA00, $0x38;
	[tilespmem:$0xCC00] =	vst v63  }
0x29: {  	p0 =	sne.s32 s19, $0xB40;
	_ =	swait.ge [sflag:s11], $0xA00  }
0x2a: {  	[sflag:s11] =	ssyncset.done $0x0  }
0x2b: {  	[sflag:s11] =	ssyncadd.s32 $0xFFFFF600  }
0x2c: {  	[tilespmem:s15], [sflag:$0x1] =	stream.indirect.gather [hbm4b:s3+s15], $0x10, s2, s15, $0xb8;
	[tilespmem:$0xCC00] =	vst v63  }
0x2d: {  	_ =	swait.ge [sflag:s14], $0xA000  }
.Ltmp0:
0x2e: {  	[sflag:s14] =	ssyncset.done $0x0;
	(pc) =	sbr.rel @p0 .LBB2_2-.Ltmp0, $4  }
0x2f: {  	[sflag:s14] =	ssyncadd.s32 $0xFFFF6000  }
0x30: {  	[hbm4b:s17+s2] =	stream.linear.scatter [tilespmem:s15], [sflag:$0x2], $0xA000, $0x38;
	[tilespmem:$0xCC00] =	vst v63  }
0x31: {  	_ =	swait.ge [sflag:s11], $0xA000  }
0x32: {  	s19 =	smov.u32 s21;
	s17 =	sadd.s32 $0x1400, s17;
	[sflag:s11] =	ssyncset.done $0x0  }
0x33: {  	s18 =	sadd.s32 s18, s9;
	[sflag:s11] =	ssyncadd.s32 $0xFFFF6000  }
0x34: {  	[tilespmem:s2], [sflag:$0x2] =	stream.linear.gather [hbm4b:s18+s2], $0xA00, $0x38;
	[tilespmem:$0xCC00] =	vst v63  }
0x35: {  	_ =	swait.ge [sflag:s11], $0xA00  }
0x36: {  	[sflag:s11] =	ssyncset.done $0x0  }
0x37: {  	[sflag:s11] =	ssyncadd.s32 $0xFFFFF600  }
0x38: {  	[tilespmem:s15], [sflag:$0x1] =	stream.indirect.gather [hbm4b:s3+s15], $0x10, s2, s15, $0xb8;
	[tilespmem:$0xCC00] =	vst v63  }
0x39: {  	s16 =	sadd.s32 $0x1, s16;
	_ =	swait.ge [sflag:s14], $0xA000  }
0x3a: {  	p0 =	sne.s32 s16, s7;
	[sflag:s14] =	ssyncset.done $0x0  }
.Ltmp1:
0x3b: {  	[sflag:s14] =	ssyncadd.s32 $0xFFFF6000;
	(pc) =	sbr.rel @p0 .LBB2_1-.Ltmp1, $4  }
0x3c: {  	[hbm4b:s17+s2] =	stream.linear.scatter [tilespmem:s15], [sflag:$0x2], $0xA000, $0x38;
	[tilespmem:$0xCC00] =	vst v63  }
0x3d: {  	_ =	swait.ge [sflag:s11], $0xA000  }
0x3e: {  	[sflag:s11] =	ssyncset.done $0x0  }
0x3f: {  	[sflag:s11] =	ssyncadd.s32 $0xFFFF6000  }
0x40: {  	_ =	sfence.sel $0x180000  }
0x41: {  	[bflag:$0x0] =	sbarrier.arrive $0xFFFF  }
0x42: {  	p0 =	sne.s32 s0, $0x0;
	_ =	strace $0x90000047  }
0x43: {  	s0 =	sadd.s32 @!p0 $0x100000, s1;
	[bflag:$0x2] =	sbarrier.arrive $0xFFFF  }
0x44: {  	[sflag:s0] =	ssyncadd.tile.s32 @!p0 $0x1;
	_ =	shalt  }
.Lfunc_end2:
_tile_overlayer_lowered:
.L_overlay_start_2:
0x45: {  	(tag) =	ssettag $0x2  }
0x46: {  	s0 =	rddreg [dreg:$0x0];
	s2 =	stileid.u32  }
0x47: {  	s1 =	rddreg [dreg:$0x1];
	p0 =	sne.s32 s2, $0x0  }
0x48: {  	s3 =	rddreg [dreg:$0x2];
	[bflag:$0x3] =	sbarrier.arrive $0xFFFF;
	s2 =	simm.s32 @!p0 $0x1C02  }
0x49: {  	[timem:s3], [sflag:s2] =	dma.local @!p0 [hbm:s0], s1  }
0x4a: {  	s0 =	simm.s32 @!p0 $0x2  }
0x4b: {  	_ =	swait.ge @!p0 [sflag:s0], s1  }
0x4c: {  	s1 =	ssub.s32 @!p0 $0x0, s1;
	[sflag:s0] =	ssyncset.done @!p0 $0x0  }
0x4d: {  	[sflag:s0] =	ssyncadd.s32 @!p0 s1  }
0x4e: {  	[bflag:$0x3] =	sbarrier.arrive $0xFFFF  }
0x4f: {  	_ =	shalt  }

</sc_bundles>
